<compile_context>
chip_gen: v7x
topology: tpu7x:2x2x1
jax: 0.10.2.dev20260603
libtpu: 0.0.44.dev20260713+nightly
codegen_flags: <defaults>
</compile_context>

<pallas_src>
import functools

import jax
import jax.numpy as jnp
from jax import lax
from jax.experimental import pallas as pl
from jax.experimental.pallas import tpu as pltpu
from jax.experimental.pallas import tpu_sc as plsc

EMB = 128
NC = 2
NS = 16
NW = NC * NS
CHUNK = 128
DEPTH = 7


def _make_gather(n_seq: int, seq_len: int):
    assert n_seq % (NW * CHUNK) == 0 and n_seq // NW == CHUNK
    n_rows = n_seq * seq_len
    n_chunks = seq_len
    assert n_chunks >= 2 * DEPTH
    tail = n_chunks % DEPTH
    mesh = plsc.VectorSubcoreMesh(core_axis_name="c", subcore_axis_name="s")

    @functools.partial(
        pl.kernel,
        mesh=mesh,
        out_type=jax.ShapeDtypeStruct((n_rows, EMB), jnp.float32),
        scratch_types=[
            pltpu.VMEM((n_chunks, CHUNK), jnp.int32),
        ]
        + [pltpu.VMEM((CHUNK, EMB), jnp.float32) for _ in range(DEPTH)]
        + [pltpu.SemaphoreType.DMA for _ in range(2 * DEPTH)],
    )
    def gather(table_hbm, idx_hbm, out_hbm, idx_v, *rest):
        bufs = rest[:DEPTH]
        gsems = rest[DEPTH : 2 * DEPTH]
        osems = rest[2 * DEPTH :]
        wid = lax.axis_index("s") * NC + lax.axis_index("c")
        base = wid * CHUNK
        pltpu.sync_copy(idx_hbm.at[:, pl.ds(base, CHUNK)], idx_v)

        def start_gather(c, b):
            pltpu.async_copy(table_hbm.at[idx_v.at[c]], bufs[b], gsems[b])

        def wait_gather(c, b):
            pltpu.make_async_copy(table_hbm.at[idx_v.at[c]], bufs[b], gsems[b]).wait()

        def out_slice(c):
            return out_hbm.at[pl.ds(c * n_seq + base, CHUNK)]

        def start_out(c, b):
            pltpu.async_copy(bufs[b], out_slice(c), osems[b])

        def wait_out(c, b):
            pltpu.make_async_copy(bufs[b], out_slice(c), osems[b]).wait()

        for b in range(DEPTH):
            start_gather(b, b)

        def body(i, _):
            for b in range(DEPTH):
                c = i * DEPTH + b
                wait_gather(c, b)
                start_out(c, b)

                @pl.when(c + DEPTH < n_chunks)
                def _():
                    wait_out(c, b)
                    start_gather(c + DEPTH, b)

            return 0

        lax.fori_loop(0, n_chunks // DEPTH, body, 0)

        for t in range(tail):
            c = (n_chunks // DEPTH) * DEPTH + t
            wait_gather(c, t)
            start_out(c, t)

        for t in range(DEPTH):
            c = n_chunks - DEPTH + t
            wait_out(c, c % DEPTH)

    return gather


@jax.jit
def kernel(word_sequences, table):
    n_seq, seq_len = word_sequences.shape
    idx = word_sequences.astype(jnp.int32).T
    out = _make_gather(n_seq, seq_len)(table, idx)
    return out.reshape(seq_len, n_seq, EMB).transpose(1, 0, 2)

# --- scband reference (transcript-rebuilt; emitter-appended) ---
"""Pipeline reference for scband-default-lexer-40862318854164 (READ-ONLY COPY).

The authoritative reference and input builder live on the scoring server;
editing this copy changes nothing except your own understanding.
"""

import jax, jax.numpy as jnp
import numpy as np

VOCAB = 100000
EMB = 128
PAD_IDX = 0

def setup_inputs(seed: int = 0) -> dict:
    key = jax.random.key(seed)
    k_idx, k_tab = jax.random.split(key)
    word_sequences = jax.random.randint(k_idx, (4096, 50), 0, VOCAB, dtype=jnp.int64)
    table = jax.random.normal(k_tab, (VOCAB, EMB), dtype=jnp.float32)
    # nn.Embedding with padding_idx zero-initializes the padding row
    table = table.at[PAD_IDX].set(0.0)
    return {"word_sequences": word_sequences, "table": table}

def reference(word_sequences, table):
    # Faithful to nn.Embedding forward: pure row gather from the table
    return jnp.take(table, word_sequences, axis=0)

if __name__ == "__main__":
    import jax
    _d = setup_inputs()
    print(jax.jit(kernel)(*tuple(_d.values())))

</pallas_src>

<mosaic_0001>
#map = affine_map<(d0, d1) -> (0, 0)>
module attributes {stable_mosaic.version = 14 : i64} {
  func.func @gather(%arg0: i32, %arg1: i32, %arg2: memref<100000x128xf32, #tpu.memory_space<hbm>>, %arg3: memref<50x4096xi32, #tpu.memory_space<hbm>>, %arg4: memref<204800x128xf32, #tpu.memory_space<hbm>>, %arg5: memref<50x128xi32, #tpu.memory_space<vmem>>, %arg6: memref<128x128xf32, #tpu.memory_space<vmem>>, %arg7: memref<128x128xf32, #tpu.memory_space<vmem>>, %arg8: memref<128x128xf32, #tpu.memory_space<vmem>>, %arg9: memref<128x128xf32, #tpu.memory_space<vmem>>, %arg10: memref<128x128xf32, #tpu.memory_space<vmem>>, %arg11: memref<128x128xf32, #tpu.memory_space<vmem>>, %arg12: memref<128x128xf32, #tpu.memory_space<vmem>>, %arg13: memref<!tpu.dma_semaphore, #tpu.memory_space<semaphore_mem>>, %arg14: memref<!tpu.dma_semaphore, #tpu.memory_space<semaphore_mem>>, %arg15: memref<!tpu.dma_semaphore, #tpu.memory_space<semaphore_mem>>, %arg16: memref<!tpu.dma_semaphore, #tpu.memory_space<semaphore_mem>>, %arg17: memref<!tpu.dma_semaphore, #tpu.memory_space<semaphore_mem>>, %arg18: memref<!tpu.dma_semaphore, #tpu.memory_space<semaphore_mem>>, %arg19: memref<!tpu.dma_semaphore, #tpu.memory_space<semaphore_mem>>, %arg20: memref<!tpu.dma_semaphore, #tpu.memory_space<semaphore_mem>>, %arg21: memref<!tpu.dma_semaphore, #tpu.memory_space<semaphore_mem>>, %arg22: memref<!tpu.dma_semaphore, #tpu.memory_space<semaphore_mem>>, %arg23: memref<!tpu.dma_semaphore, #tpu.memory_space<semaphore_mem>>, %arg24: memref<!tpu.dma_semaphore, #tpu.memory_space<semaphore_mem>>, %arg25: memref<!tpu.dma_semaphore, #tpu.memory_space<semaphore_mem>>, %arg26: memref<!tpu.dma_semaphore, #tpu.memory_space<semaphore_mem>>) attributes {dimension_semantics = [#tpu.dimension_semantics<core_parallel>, #tpu.dimension_semantics<subcore_parallel>], iteration_bounds = array<i64: 2, 16>, scalar_prefetch = 0 : i64, scratch_operands = 22 : i64, tpu.core_type = #tpu.core_type<sc_vector_subcore>, window_params = [{transform_indices = #map}, {transform_indices = #map}, {transform_indices = #map}]} {
    %mul3A = arith.constant 2 : i32
    %mul3A_0 = arith.muli %arg1, %mul3A : i32
    %add3A = arith.addi %mul3A_0, %arg0 : i32
    %mul3A_1 = arith.constant 128 : i32
    %mul3A_2 = arith.muli %add3A, %mul3A_1 : i32
    "tpu.region"() ({
      %run_scoped3A = tpu.sem_alloc : memref<!tpu.dma_semaphore, #tpu.memory_space<semaphore_mem>>
      %dma_start3A_111 = arith.constant 0 : i32
      %dma_start3A_112 = tpu.memref_slice %arg3[%dma_start3A_111, %mul3A_2] : memref<50x4096xi32, #tpu.memory_space<hbm>> -> memref<50x128xi32, #tpu.memory_space<hbm>>
      %dma_start3A_113 = arith.constant 0 : i32
      %dma_start3A_114 = tpu.memref_slice %arg3[%dma_start3A_113, %mul3A_2] : memref<50x4096xi32, #tpu.memory_space<hbm>> -> memref<50x128xi32, #tpu.memory_space<hbm>>
      tpu.enqueue_dma source(%dma_start3A_114 : memref<50x128xi32, #tpu.memory_space<hbm>>) target(%arg5 : memref<50x128xi32, #tpu.memory_space<vmem>>) target_semaphore(%run_scoped3A : memref<!tpu.dma_semaphore, #tpu.memory_space<semaphore_mem>>)
      %dma_wait3A_115 = arith.constant 0 : i32
      %dma_wait3A_116 = tpu.memref_slice %arg3[%dma_wait3A_115, %mul3A_2] : memref<50x4096xi32, #tpu.memory_space<hbm>> -> memref<50x128xi32, #tpu.memory_space<hbm>>
      %dma_wait3A_117 = arith.constant 0 : i32
      %dma_wait3A_118 = tpu.memref_slice %arg3[%dma_wait3A_117, %mul3A_2] : memref<50x4096xi32, #tpu.memory_space<hbm>> -> memref<50x128xi32, #tpu.memory_space<hbm>>
      tpu.wait_dma2 semaphore(%run_scoped3A : memref<!tpu.dma_semaphore, #tpu.memory_space<semaphore_mem>>) src(%dma_wait3A_118 : memref<50x128xi32, #tpu.memory_space<hbm>>) dst(%arg5 : memref<50x128xi32, #tpu.memory_space<vmem>>)
      tpu.yield
    }) : () -> ()
    %dma_start3A = arith.constant 0 : i32
    %dma_start3A_3 = arith.constant 0 : i32
    %dma_start3A_4 = tpu.memref_slice %arg5[%dma_start3A, %dma_start3A_3] : memref<50x128xi32, #tpu.memory_space<vmem>> -> memref<1x128xi32, #tpu.memory_space<vmem>>
    %dma_start3A_5 = tpu.memref_squeeze %dma_start3A_4 : memref<1x128xi32, #tpu.memory_space<vmem>> -> memref<128xi32, #tpu.memory_space<vmem>>
    %dma_start3A_6 = arith.constant 0 : i32
    %dma_start3A_7 = arith.constant 0 : i32
    %dma_start3A_8 = tpu.memref_slice %arg2[%dma_start3A_6, %dma_start3A_7] : memref<100000x128xf32, #tpu.memory_space<hbm>> -> memref<100000x128xf32, #tpu.memory_space<hbm>>
    tpu.enqueue_indirect_dma source(%dma_start3A_8 : memref<100000x128xf32, #tpu.memory_space<hbm>>) target(%arg6 : memref<128x128xf32, #tpu.memory_space<vmem>>) offsets(%dma_start3A_5 : memref<128xi32, #tpu.memory_space<vmem>>) semaphore(%arg13 : memref<!tpu.dma_semaphore, #tpu.memory_space<semaphore_mem>>)
    %dma_start3A_9 = arith.constant 1 : i32
    %dma_start3A_10 = arith.constant 0 : i32
    %dma_start3A_11 = tpu.memref_slice %arg5[%dma_start3A_9, %dma_start3A_10] : memref<50x128xi32, #tpu.memory_space<vmem>> -> memref<1x128xi32, #tpu.memory_space<vmem>>
    %dma_start3A_12 = tpu.memref_squeeze %dma_start3A_11 : memref<1x128xi32, #tpu.memory_space<vmem>> -> memref<128xi32, #tpu.memory_space<vmem>>
    %dma_start3A_13 = arith.constant 0 : i32
    %dma_start3A_14 = arith.constant 0 : i32
    %dma_start3A_15 = tpu.memref_slice %arg2[%dma_start3A_13, %dma_start3A_14] : memref<100000x128xf32, #tpu.memory_space<hbm>> -> memref<100000x128xf32, #tpu.memory_space<hbm>>
    tpu.enqueue_indirect_dma source(%dma_start3A_15 : memref<100000x128xf32, #tpu.memory_space<hbm>>) target(%arg7 : memref<128x128xf32, #tpu.memory_space<vmem>>) offsets(%dma_start3A_12 : memref<128xi32, #tpu.memory_space<vmem>>) semaphore(%arg14 : memref<!tpu.dma_semaphore, #tpu.memory_space<semaphore_mem>>)
    %dma_start3A_16 = arith.constant 2 : i32
    %dma_start3A_17 = arith.constant 0 : i32
    %dma_start3A_18 = tpu.memref_slice %arg5[%dma_start3A_16, %dma_start3A_17] : memref<50x128xi32, #tpu.memory_space<vmem>> -> memref<1x128xi32, #tpu.memory_space<vmem>>
    %dma_start3A_19 = tpu.memref_squeeze %dma_start3A_18 : memref<1x128xi32, #tpu.memory_space<vmem>> -> memref<128xi32, #tpu.memory_space<vmem>>
    %dma_start3A_20 = arith.constant 0 : i32
    %dma_start3A_21 = arith.constant 0 : i32
    %dma_start3A_22 = tpu.memref_slice %arg2[%dma_start3A_20, %dma_start3A_21] : memref<100000x128xf32, #tpu.memory_space<hbm>> -> memref<100000x128xf32, #tpu.memory_space<hbm>>
    tpu.enqueue_indirect_dma source(%dma_start3A_22 : memref<100000x128xf32, #tpu.memory_space<hbm>>) target(%arg8 : memref<128x128xf32, #tpu.memory_space<vmem>>) offsets(%dma_start3A_19 : memref<128xi32, #tpu.memory_space<vmem>>) semaphore(%arg15 : memref<!tpu.dma_semaphore, #tpu.memory_space<semaphore_mem>>)
    %dma_start3A_23 = arith.constant 3 : i32
    %dma_start3A_24 = arith.constant 0 : i32
    %dma_start3A_25 = tpu.memref_slice %arg5[%dma_start3A_23, %dma_start3A_24] : memref<50x128xi32, #tpu.memory_space<vmem>> -> memref<1x128xi32, #tpu.memory_space<vmem>>
    %dma_start3A_26 = tpu.memref_squeeze %dma_start3A_25 : memref<1x128xi32, #tpu.memory_space<vmem>> -> memref<128xi32, #tpu.memory_space<vmem>>
    %dma_start3A_27 = arith.constant 0 : i32
    %dma_start3A_28 = arith.constant 0 : i32
    %dma_start3A_29 = tpu.memref_slice %arg2[%dma_start3A_27, %dma_start3A_28] : memref<100000x128xf32, #tpu.memory_space<hbm>> -> memref<100000x128xf32, #tpu.memory_space<hbm>>
    tpu.enqueue_indirect_dma source(%dma_start3A_29 : memref<100000x128xf32, #tpu.memory_space<hbm>>) target(%arg9 : memref<128x128xf32, #tpu.memory_space<vmem>>) offsets(%dma_start3A_26 : memref<128xi32, #tpu.memory_space<vmem>>) semaphore(%arg16 : memref<!tpu.dma_semaphore, #tpu.memory_space<semaphore_mem>>)
    %dma_start3A_30 = arith.constant 4 : i32
    %dma_start3A_31 = arith.constant 0 : i32
    %dma_start3A_32 = tpu.memref_slice %arg5[%dma_start3A_30, %dma_start3A_31] : memref<50x128xi32, #tpu.memory_space<vmem>> -> memref<1x128xi32, #tpu.memory_space<vmem>>
    %dma_start3A_33 = tpu.memref_squeeze %dma_start3A_32 : memref<1x128xi32, #tpu.memory_space<vmem>> -> memref<128xi32, #tpu.memory_space<vmem>>
    %dma_start3A_34 = arith.constant 0 : i32
    %dma_start3A_35 = arith.constant 0 : i32
    %dma_start3A_36 = tpu.memref_slice %arg2[%dma_start3A_34, %dma_start3A_35] : memref<100000x128xf32, #tpu.memory_space<hbm>> -> memref<100000x128xf32, #tpu.memory_space<hbm>>
    tpu.enqueue_indirect_dma source(%dma_start3A_36 : memref<100000x128xf32, #tpu.memory_space<hbm>>) target(%arg10 : memref<128x128xf32, #tpu.memory_space<vmem>>) offsets(%dma_start3A_33 : memref<128xi32, #tpu.memory_space<vmem>>) semaphore(%arg17 : memref<!tpu.dma_semaphore, #tpu.memory_space<semaphore_mem>>)
    %dma_start3A_37 = arith.constant 5 : i32
    %dma_start3A_38 = arith.constant 0 : i32
    %dma_start3A_39 = tpu.memref_slice %arg5[%dma_start3A_37, %dma_start3A_38] : memref<50x128xi32, #tpu.memory_space<vmem>> -> memref<1x128xi32, #tpu.memory_space<vmem>>
    %dma_start3A_40 = tpu.memref_squeeze %dma_start3A_39 : memref<1x128xi32, #tpu.memory_space<vmem>> -> memref<128xi32, #tpu.memory_space<vmem>>
    %dma_start3A_41 = arith.constant 0 : i32
    %dma_start3A_42 = arith.constant 0 : i32
    %dma_start3A_43 = tpu.memref_slice %arg2[%dma_start3A_41, %dma_start3A_42] : memref<100000x128xf32, #tpu.memory_space<hbm>> -> memref<100000x128xf32, #tpu.memory_space<hbm>>
    tpu.enqueue_indirect_dma source(%dma_start3A_43 : memref<100000x128xf32, #tpu.memory_space<hbm>>) target(%arg11 : memref<128x128xf32, #tpu.memory_space<vmem>>) offsets(%dma_start3A_40 : memref<128xi32, #tpu.memory_space<vmem>>) semaphore(%arg18 : memref<!tpu.dma_semaphore, #tpu.memory_space<semaphore_mem>>)
    %dma_start3A_44 = arith.constant 6 : i32
    %dma_start3A_45 = arith.constant 0 : i32
    %dma_start3A_46 = tpu.memref_slice %arg5[%dma_start3A_44, %dma_start3A_45] : memref<50x128xi32, #tpu.memory_space<vmem>> -> memref<1x128xi32, #tpu.memory_space<vmem>>
    %dma_start3A_47 = tpu.memref_squeeze %dma_start3A_46 : memref<1x128xi32, #tpu.memory_space<vmem>> -> memref<128xi32, #tpu.memory_space<vmem>>
    %dma_start3A_48 = arith.constant 0 : i32
    %dma_start3A_49 = arith.constant 0 : i32
    %dma_start3A_50 = tpu.memref_slice %arg2[%dma_start3A_48, %dma_start3A_49] : memref<100000x128xf32, #tpu.memory_space<hbm>> -> memref<100000x128xf32, #tpu.memory_space<hbm>>
    tpu.enqueue_indirect_dma source(%dma_start3A_50 : memref<100000x128xf32, #tpu.memory_space<hbm>>) target(%arg12 : memref<128x128xf32, #tpu.memory_space<vmem>>) offsets(%dma_start3A_47 : memref<128xi32, #tpu.memory_space<vmem>>) semaphore(%arg19 : memref<!tpu.dma_semaphore, #tpu.memory_space<semaphore_mem>>)
    %scan3A = arith.constant 0 : i32
    %scan3A_51 = arith.constant 0 : i32
    %scan3A_52 = arith.constant 7 : i32
    %scan3A_53 = arith.addi %scan3A_51, %scan3A_52 : i32
    %scan3A_54 = arith.constant 1 : i32
    %scan3A_55 = scf.for %scan3A_111 = %scan3A_51 to %scan3A_53 step %scan3A_54 iter_args(%scan3A_112 = %scan3A) -> (i32)  : i32 {
      %mul3A_113 = arith.constant 7 : i32
      %mul3A_114 = arith.muli %scan3A_111, %mul3A_113 : i32
      %add3A_115 = arith.constant 0 : i32
      %add3A_116 = arith.addi %mul3A_114, %add3A_115 : i32
      %dma_wait3A_117 = arith.constant 0 : i32
      %dma_wait3A_118 = tpu.memref_slice %arg5[%add3A_116, %dma_wait3A_117] : memref<50x128xi32, #tpu.memory_space<vmem>> -> memref<1x128xi32, #tpu.memory_space<vmem>>
      %dma_wait3A_119 = tpu.memref_squeeze %dma_wait3A_118 : memref<1x128xi32, #tpu.memory_space<vmem>> -> memref<128xi32, #tpu.memory_space<vmem>>
      %dma_wait3A_120 = arith.constant 0 : i32
      %dma_wait3A_121 = arith.constant 0 : i32
      %dma_wait3A_122 = tpu.memref_slice %arg2[%dma_wait3A_120, %dma_wait3A_121] : memref<100000x128xf32, #tpu.memory_space<hbm>> -> memref<100000x128xf32, #tpu.memory_space<hbm>>
      tpu.wait_indirect_dma semaphore(%arg13 : memref<!tpu.dma_semaphore, #tpu.memory_space<semaphore_mem>>) src(%dma_wait3A_122 : memref<100000x128xf32, #tpu.memory_space<hbm>>) dst(%arg6 : memref<128x128xf32, #tpu.memory_space<vmem>>)
      %mul3A_123 = arith.constant 4096 : i32
      %mul3A_124 = arith.muli %add3A_116, %mul3A_123 : i32
      %add3A_125 = arith.addi %mul3A_124, %mul3A_2 : i32
      %dma_start3A_126 = arith.constant 0 : i32
      %dma_start3A_127 = tpu.memref_slice %arg4[%add3A_125, %dma_start3A_126] : memref<204800x128xf32, #tpu.memory_space<hbm>> -> memref<128x128xf32, #tpu.memory_space<hbm>>
      %dma_start3A_128 = arith.constant 0 : i32
      %dma_start3A_129 = tpu.memref_slice %arg4[%add3A_125, %dma_start3A_128] : memref<204800x128xf32, #tpu.memory_space<hbm>> -> memref<128x128xf32, #tpu.memory_space<hbm>>
      tpu.enqueue_dma source(%arg6 : memref<128x128xf32, #tpu.memory_space<vmem>>) target(%dma_start3A_129 : memref<128x128xf32, #tpu.memory_space<hbm>>) target_semaphore(%arg20 : memref<!tpu.dma_semaphore, #tpu.memory_space<semaphore_mem>>)
      %add3A_130 = arith.constant 7 : i32
      %add3A_131 = arith.addi %add3A_116, %add3A_130 : i32
      %lt3A = arith.constant 50 : i32
      %lt3A_132 = arith.cmpi slt, %add3A_131, %lt3A : i32
      %convert_element_type3A = arith.extui %lt3A_132 : i1 to i32
      %cond3A = arith.constant 0 : i32
      %cond3A_133 = arith.cmpi ne, %convert_element_type3A, %cond3A : i32
      scf.if %cond3A_133 {
        %mul3A_279 = arith.constant 4096 : i32
        %mul3A_280 = arith.muli %add3A_116, %mul3A_279 : i32
        %add3A_281 = arith.addi %mul3A_280, %mul3A_2 : i32
        %dma_wait3A_282 = arith.constant 0 : i32
        %dma_wait3A_283 = tpu.memref_slice %arg4[%add3A_281, %dma_wait3A_282] : memref<204800x128xf32, #tpu.memory_space<hbm>> -> memref<128x128xf32, #tpu.memory_space<hbm>>
        %dma_wait3A_284 = arith.constant 0 : i32
        %dma_wait3A_285 = tpu.memref_slice %arg4[%add3A_281, %dma_wait3A_284] : memref<204800x128xf32, #tpu.memory_space<hbm>> -> memref<128x128xf32, #tpu.memory_space<hbm>>
        tpu.wait_dma2 semaphore(%arg20 : memref<!tpu.dma_semaphore, #tpu.memory_space<semaphore_mem>>) src(%arg6 : memref<128x128xf32, #tpu.memory_space<vmem>>) dst(%dma_wait3A_285 : memref<128x128xf32, #tpu.memory_space<hbm>>)
        %add3A_286 = arith.constant 7 : i32
        %add3A_287 = arith.addi %add3A_116, %add3A_286 : i32
        %dma_start3A_288 = arith.constant 0 : i32
        %dma_start3A_289 = tpu.memref_slice %arg5[%add3A_287, %dma_start3A_288] : memref<50x128xi32, #tpu.memory_space<vmem>> -> memref<1x128xi32, #tpu.memory_space<vmem>>
        %dma_start3A_290 = tpu.memref_squeeze %dma_start3A_289 : memref<1x128xi32, #tpu.memory_space<vmem>> -> memref<128xi32, #tpu.memory_space<vmem>>
        %dma_start3A_291 = arith.constant 0 : i32
        %dma_start3A_292 = arith.constant 0 : i32
        %dma_start3A_293 = tpu.memref_slice %arg2[%dma_start3A_291, %dma_start3A_292] : memref<100000x128xf32, #tpu.memory_space<hbm>> -> memref<100000x128xf32, #tpu.memory_space<hbm>>
        tpu.enqueue_indirect_dma source(%dma_start3A_293 : memref<100000x128xf32, #tpu.memory_space<hbm>>) target(%arg6 : memref<128x128xf32, #tpu.memory_space<vmem>>) offsets(%dma_start3A_290 : memref<128xi32, #tpu.memory_space<vmem>>) semaphore(%arg13 : memref<!tpu.dma_semaphore, #tpu.memory_space<semaphore_mem>>)
      } else {
      }
      %mul3A_134 = arith.constant 7 : i32
      %mul3A_135 = arith.muli %scan3A_111, %mul3A_134 : i32
      %add3A_136 = arith.constant 1 : i32
      %add3A_137 = arith.addi %mul3A_135, %add3A_136 : i32
      %dma_wait3A_138 = arith.constant 0 : i32
      %dma_wait3A_139 = tpu.memref_slice %arg5[%add3A_137, %dma_wait3A_138] : memref<50x128xi32, #tpu.memory_space<vmem>> -> memref<1x128xi32, #tpu.memory_space<vmem>>
      %dma_wait3A_140 = tpu.memref_squeeze %dma_wait3A_139 : memref<1x128xi32, #tpu.memory_space<vmem>> -> memref<128xi32, #tpu.memory_space<vmem>>
      %dma_wait3A_141 = arith.constant 0 : i32
      %dma_wait3A_142 = arith.constant 0 : i32
      %dma_wait3A_143 = tpu.memref_slice %arg2[%dma_wait3A_141, %dma_wait3A_142] : memref<100000x128xf32, #tpu.memory_space<hbm>> -> memref<100000x128xf32, #tpu.memory_space<hbm>>
      tpu.wait_indirect_dma semaphore(%arg14 : memref<!tpu.dma_semaphore, #tpu.memory_space<semaphore_mem>>) src(%dma_wait3A_143 : memref<100000x128xf32, #tpu.memory_space<hbm>>) dst(%arg7 : memref<128x128xf32, #tpu.memory_space<vmem>>)
      %mul3A_144 = arith.constant 4096 : i32
      %mul3A_145 = arith.muli %add3A_137, %mul3A_144 : i32
      %add3A_146 = arith.addi %mul3A_145, %mul3A_2 : i32
      %dma_start3A_147 = arith.constant 0 : i32
      %dma_start3A_148 = tpu.memref_slice %arg4[%add3A_146, %dma_start3A_147] : memref<204800x128xf32, #tpu.memory_space<hbm>> -> memref<128x128xf32, #tpu.memory_space<hbm>>
      %dma_start3A_149 = arith.constant 0 : i32
      %dma_start3A_150 = tpu.memref_slice %arg4[%add3A_146, %dma_start3A_149] : memref<204800x128xf32, #tpu.memory_space<hbm>> -> memref<128x128xf32, #tpu.memory_space<hbm>>
      tpu.enqueue_dma source(%arg7 : memref<128x128xf32, #tpu.memory_space<vmem>>) target(%dma_start3A_150 : memref<128x128xf32, #tpu.memory_space<hbm>>) target_semaphore(%arg21 : memref<!tpu.dma_semaphore, #tpu.memory_space<semaphore_mem>>)
      %add3A_151 = arith.constant 7 : i32
      %add3A_152 = arith.addi %add3A_137, %add3A_151 : i32
      %lt3A_153 = arith.constant 50 : i32
      %lt3A_154 = arith.cmpi slt, %add3A_152, %lt3A_153 : i32
      %convert_element_type3A_155 = arith.extui %lt3A_154 : i1 to i32
      %cond3A_156 = arith.constant 0 : i32
      %cond3A_157 = arith.cmpi ne, %convert_element_type3A_155, %cond3A_156 : i32
      scf.if %cond3A_157 {
        %mul3A_279 = arith.constant 4096 : i32
        %mul3A_280 = arith.muli %add3A_137, %mul3A_279 : i32
        %add3A_281 = arith.addi %mul3A_280, %mul3A_2 : i32
        %dma_wait3A_282 = arith.constant 0 : i32
        %dma_wait3A_283 = tpu.memref_slice %arg4[%add3A_281, %dma_wait3A_282] : memref<204800x128xf32, #tpu.memory_space<hbm>> -> memref<128x128xf32, #tpu.memory_space<hbm>>
        %dma_wait3A_284 = arith.constant 0 : i32
        %dma_wait3A_285 = tpu.memref_slice %arg4[%add3A_281, %dma_wait3A_284] : memref<204800x128xf32, #tpu.memory_space<hbm>> -> memref<128x128xf32, #tpu.memory_space<hbm>>
        tpu.wait_dma2 semaphore(%arg21 : memref<!tpu.dma_semaphore, #tpu.memory_space<semaphore_mem>>) src(%arg7 : memref<128x128xf32, #tpu.memory_space<vmem>>) dst(%dma_wait3A_285 : memref<128x128xf32, #tpu.memory_space<hbm>>)
        %add3A_286 = arith.constant 7 : i32
        %add3A_287 = arith.addi %add3A_137, %add3A_286 : i32
        %dma_start3A_288 = arith.constant 0 : i32
        %dma_start3A_289 = tpu.memref_slice %arg5[%add3A_287, %dma_start3A_288] : memref<50x128xi32, #tpu.memory_space<vmem>> -> memref<1x128xi32, #tpu.memory_space<vmem>>
        %dma_start3A_290 = tpu.memref_squeeze %dma_start3A_289 : memref<1x128xi32, #tpu.memory_space<vmem>> -> memref<128xi32, #tpu.memory_space<vmem>>
        %dma_start3A_291 = arith.constant 0 : i32
        %dma_start3A_292 = arith.constant 0 : i32
        %dma_start3A_293 = tpu.memref_slice %arg2[%dma_start3A_291, %dma_start3A_292] : memref<100000x128xf32, #tpu.memory_space<hbm>> -> memref<100000x128xf32, #tpu.memory_space<hbm>>
        tpu.enqueue_indirect_dma source(%dma_start3A_293 : memref<100000x128xf32, #tpu.memory_space<hbm>>) target(%arg7 : memref<128x128xf32, #tpu.memory_space<vmem>>) offsets(%dma_start3A_290 : memref<128xi32, #tpu.memory_space<vmem>>) semaphore(%arg14 : memref<!tpu.dma_semaphore, #tpu.memory_space<semaphore_mem>>)
      } else {
      }
      %mul3A_158 = arith.constant 7 : i32
      %mul3A_159 = arith.muli %scan3A_111, %mul3A_158 : i32
      %add3A_160 = arith.constant 2 : i32
      %add3A_161 = arith.addi %mul3A_159, %add3A_160 : i32
      %dma_wait3A_162 = arith.constant 0 : i32
      %dma_wait3A_163 = tpu.memref_slice %arg5[%add3A_161, %dma_wait3A_162] : memref<50x128xi32, #tpu.memory_space<vmem>> -> memref<1x128xi32, #tpu.memory_space<vmem>>
      %dma_wait3A_164 = tpu.memref_squeeze %dma_wait3A_163 : memref<1x128xi32, #tpu.memory_space<vmem>> -> memref<128xi32, #tpu.memory_space<vmem>>
      %dma_wait3A_165 = arith.constant 0 : i32
      %dma_wait3A_166 = arith.constant 0 : i32
      %dma_wait3A_167 = tpu.memref_slice %arg2[%dma_wait3A_165, %dma_wait3A_166] : memref<100000x128xf32, #tpu.memory_space<hbm>> -> memref<100000x128xf32, #tpu.memory_space<hbm>>
      tpu.wait_indirect_dma semaphore(%arg15 : memref<!tpu.dma_semaphore, #tpu.memory_space<semaphore_mem>>) src(%dma_wait3A_167 : memref<100000x128xf32, #tpu.memory_space<hbm>>) dst(%arg8 : memref<128x128xf32, #tpu.memory_space<vmem>>)
      %mul3A_168 = arith.constant 4096 : i32
      %mul3A_169 = arith.muli %add3A_161, %mul3A_168 : i32
      %add3A_170 = arith.addi %mul3A_169, %mul3A_2 : i32
      %dma_start3A_171 = arith.constant 0 : i32
      %dma_start3A_172 = tpu.memref_slice %arg4[%add3A_170, %dma_start3A_171] : memref<204800x128xf32, #tpu.memory_space<hbm>> -> memref<128x128xf32, #tpu.memory_space<hbm>>
      %dma_start3A_173 = arith.constant 0 : i32
      %dma_start3A_174 = tpu.memref_slice %arg4[%add3A_170, %dma_start3A_173] : memref<204800x128xf32, #tpu.memory_space<hbm>> -> memref<128x128xf32, #tpu.memory_space<hbm>>
      tpu.enqueue_dma source(%arg8 : memref<128x128xf32, #tpu.memory_space<vmem>>) target(%dma_start3A_174 : memref<128x128xf32, #tpu.memory_space<hbm>>) target_semaphore(%arg22 : memref<!tpu.dma_semaphore, #tpu.memory_space<semaphore_mem>>)
      %add3A_175 = arith.constant 7 : i32
      %add3A_176 = arith.addi %add3A_161, %add3A_175 : i32
      %lt3A_177 = arith.constant 50 : i32
      %lt3A_178 = arith.cmpi slt, %add3A_176, %lt3A_177 : i32
      %convert_element_type3A_179 = arith.extui %lt3A_178 : i1 to i32
      %cond3A_180 = arith.constant 0 : i32
      %cond3A_181 = arith.cmpi ne, %convert_element_type3A_179, %cond3A_180 : i32
      scf.if %cond3A_181 {
        %mul3A_279 = arith.constant 4096 : i32
        %mul3A_280 = arith.muli %add3A_161, %mul3A_279 : i32
        %add3A_281 = arith.addi %mul3A_280, %mul3A_2 : i32
        %dma_wait3A_282 = arith.constant 0 : i32
        %dma_wait3A_283 = tpu.memref_slice %arg4[%add3A_281, %dma_wait3A_282] : memref<204800x128xf32, #tpu.memory_space<hbm>> -> memref<128x128xf32, #tpu.memory_space<hbm>>
        %dma_wait3A_284 = arith.constant 0 : i32
        %dma_wait3A_285 = tpu.memref_slice %arg4[%add3A_281, %dma_wait3A_284] : memref<204800x128xf32, #tpu.memory_space<hbm>> -> memref<128x128xf32, #tpu.memory_space<hbm>>
        tpu.wait_dma2 semaphore(%arg22 : memref<!tpu.dma_semaphore, #tpu.memory_space<semaphore_mem>>) src(%arg8 : memref<128x128xf32, #tpu.memory_space<vmem>>) dst(%dma_wait3A_285 : memref<128x128xf32, #tpu.memory_space<hbm>>)
        %add3A_286 = arith.constant 7 : i32
        %add3A_287 = arith.addi %add3A_161, %add3A_286 : i32
        %dma_start3A_288 = arith.constant 0 : i32
        %dma_start3A_289 = tpu.memref_slice %arg5[%add3A_287, %dma_start3A_288] : memref<50x128xi32, #tpu.memory_space<vmem>> -> memref<1x128xi32, #tpu.memory_space<vmem>>
        %dma_start3A_290 = tpu.memref_squeeze %dma_start3A_289 : memref<1x128xi32, #tpu.memory_space<vmem>> -> memref<128xi32, #tpu.memory_space<vmem>>
        %dma_start3A_291 = arith.constant 0 : i32
        %dma_start3A_292 = arith.constant 0 : i32
        %dma_start3A_293 = tpu.memref_slice %arg2[%dma_start3A_291, %dma_start3A_292] : memref<100000x128xf32, #tpu.memory_space<hbm>> -> memref<100000x128xf32, #tpu.memory_space<hbm>>
        tpu.enqueue_indirect_dma source(%dma_start3A_293 : memref<100000x128xf32, #tpu.memory_space<hbm>>) target(%arg8 : memref<128x128xf32, #tpu.memory_space<vmem>>) offsets(%dma_start3A_290 : memref<128xi32, #tpu.memory_space<vmem>>) semaphore(%arg15 : memref<!tpu.dma_semaphore, #tpu.memory_space<semaphore_mem>>)
      } else {
      }
      %mul3A_182 = arith.constant 7 : i32
      %mul3A_183 = arith.muli %scan3A_111, %mul3A_182 : i32
      %add3A_184 = arith.constant 3 : i32
      %add3A_185 = arith.addi %mul3A_183, %add3A_184 : i32
      %dma_wait3A_186 = arith.constant 0 : i32
      %dma_wait3A_187 = tpu.memref_slice %arg5[%add3A_185, %dma_wait3A_186] : memref<50x128xi32, #tpu.memory_space<vmem>> -> memref<1x128xi32, #tpu.memory_space<vmem>>
      %dma_wait3A_188 = tpu.memref_squeeze %dma_wait3A_187 : memref<1x128xi32, #tpu.memory_space<vmem>> -> memref<128xi32, #tpu.memory_space<vmem>>
      %dma_wait3A_189 = arith.constant 0 : i32
      %dma_wait3A_190 = arith.constant 0 : i32
      %dma_wait3A_191 = tpu.memref_slice %arg2[%dma_wait3A_189, %dma_wait3A_190] : memref<100000x128xf32, #tpu.memory_space<hbm>> -> memref<100000x128xf32, #tpu.memory_space<hbm>>
      tpu.wait_indirect_dma semaphore(%arg16 : memref<!tpu.dma_semaphore, #tpu.memory_space<semaphore_mem>>) src(%dma_wait3A_191 : memref<100000x128xf32, #tpu.memory_space<hbm>>) dst(%arg9 : memref<128x128xf32, #tpu.memory_space<vmem>>)
      %mul3A_192 = arith.constant 4096 : i32
      %mul3A_193 = arith.muli %add3A_185, %mul3A_192 : i32
      %add3A_194 = arith.addi %mul3A_193, %mul3A_2 : i32
      %dma_start3A_195 = arith.constant 0 : i32
      %dma_start3A_196 = tpu.memref_slice %arg4[%add3A_194, %dma_start3A_195] : memref<204800x128xf32, #tpu.memory_space<hbm>> -> memref<128x128xf32, #tpu.memory_space<hbm>>
      %dma_start3A_197 = arith.constant 0 : i32
      %dma_start3A_198 = tpu.memref_slice %arg4[%add3A_194, %dma_start3A_197] : memref<204800x128xf32, #tpu.memory_space<hbm>> -> memref<128x128xf32, #tpu.memory_space<hbm>>
      tpu.enqueue_dma source(%arg9 : memref<128x128xf32, #tpu.memory_space<vmem>>) target(%dma_start3A_198 : memref<128x128xf32, #tpu.memory_space<hbm>>) target_semaphore(%arg23 : memref<!tpu.dma_semaphore, #tpu.memory_space<semaphore_mem>>)
      %add3A_199 = arith.constant 7 : i32
      %add3A_200 = arith.addi %add3A_185, %add3A_199 : i32
      %lt3A_201 = arith.constant 50 : i32
      %lt3A_202 = arith.cmpi slt, %add3A_200, %lt3A_201 : i32
      %convert_element_type3A_203 = arith.extui %lt3A_202 : i1 to i32
      %cond3A_204 = arith.constant 0 : i32
      %cond3A_205 = arith.cmpi ne, %convert_element_type3A_203, %cond3A_204 : i32
      scf.if %cond3A_205 {
        %mul3A_279 = arith.constant 4096 : i32
        %mul3A_280 = arith.muli %add3A_185, %mul3A_279 : i32
        %add3A_281 = arith.addi %mul3A_280, %mul3A_2 : i32
        %dma_wait3A_282 = arith.constant 0 : i32
        %dma_wait3A_283 = tpu.memref_slice %arg4[%add3A_281, %dma_wait3A_282] : memref<204800x128xf32, #tpu.memory_space<hbm>> -> memref<128x128xf32, #tpu.memory_space<hbm>>
        %dma_wait3A_284 = arith.constant 0 : i32
        %dma_wait3A_285 = tpu.memref_slice %arg4[%add3A_281, %dma_wait3A_284] : memref<204800x128xf32, #tpu.memory_space<hbm>> -> memref<128x128xf32, #tpu.memory_space<hbm>>
        tpu.wait_dma2 semaphore(%arg23 : memref<!tpu.dma_semaphore, #tpu.memory_space<semaphore_mem>>) src(%arg9 : memref<128x128xf32, #tpu.memory_space<vmem>>) dst(%dma_wait3A_285 : memref<128x128xf32, #tpu.memory_space<hbm>>)
        %add3A_286 = arith.constant 7 : i32
        %add3A_287 = arith.addi %add3A_185, %add3A_286 : i32
        %dma_start3A_288 = arith.constant 0 : i32
        %dma_start3A_289 = tpu.memref_slice %arg5[%add3A_287, %dma_start3A_288] : memref<50x128xi32, #tpu.memory_space<vmem>> -> memref<1x128xi32, #tpu.memory_space<vmem>>
        %dma_start3A_290 = tpu.memref_squeeze %dma_start3A_289 : memref<1x128xi32, #tpu.memory_space<vmem>> -> memref<128xi32, #tpu.memory_space<vmem>>
        %dma_start3A_291 = arith.constant 0 : i32
        %dma_start3A_292 = arith.constant 0 : i32
        %dma_start3A_293 = tpu.memref_slice %arg2[%dma_start3A_291, %dma_start3A_292] : memref<100000x128xf32, #tpu.memory_space<hbm>> -> memref<100000x128xf32, #tpu.memory_space<hbm>>
        tpu.enqueue_indirect_dma source(%dma_start3A_293 : memref<100000x128xf32, #tpu.memory_space<hbm>>) target(%arg9 : memref<128x128xf32, #tpu.memory_space<vmem>>) offsets(%dma_start3A_290 : memref<128xi32, #tpu.memory_space<vmem>>) semaphore(%arg16 : memref<!tpu.dma_semaphore, #tpu.memory_space<semaphore_mem>>)
      } else {
      }
      %mul3A_206 = arith.constant 7 : i32
      %mul3A_207 = arith.muli %scan3A_111, %mul3A_206 : i32
      %add3A_208 = arith.constant 4 : i32
      %add3A_209 = arith.addi %mul3A_207, %add3A_208 : i32
      %dma_wait3A_210 = arith.constant 0 : i32
      %dma_wait3A_211 = tpu.memref_slice %arg5[%add3A_209, %dma_wait3A_210] : memref<50x128xi32, #tpu.memory_space<vmem>> -> memref<1x128xi32, #tpu.memory_space<vmem>>
      %dma_wait3A_212 = tpu.memref_squeeze %dma_wait3A_211 : memref<1x128xi32, #tpu.memory_space<vmem>> -> memref<128xi32, #tpu.memory_space<vmem>>
      %dma_wait3A_213 = arith.constant 0 : i32
      %dma_wait3A_214 = arith.constant 0 : i32
      %dma_wait3A_215 = tpu.memref_slice %arg2[%dma_wait3A_213, %dma_wait3A_214] : memref<100000x128xf32, #tpu.memory_space<hbm>> -> memref<100000x128xf32, #tpu.memory_space<hbm>>
      tpu.wait_indirect_dma semaphore(%arg17 : memref<!tpu.dma_semaphore, #tpu.memory_space<semaphore_mem>>) src(%dma_wait3A_215 : memref<100000x128xf32, #tpu.memory_space<hbm>>) dst(%arg10 : memref<128x128xf32, #tpu.memory_space<vmem>>)
      %mul3A_216 = arith.constant 4096 : i32
      %mul3A_217 = arith.muli %add3A_209, %mul3A_216 : i32
      %add3A_218 = arith.addi %mul3A_217, %mul3A_2 : i32
      %dma_start3A_219 = arith.constant 0 : i32
      %dma_start3A_220 = tpu.memref_slice %arg4[%add3A_218, %dma_start3A_219] : memref<204800x128xf32, #tpu.memory_space<hbm>> -> memref<128x128xf32, #tpu.memory_space<hbm>>
      %dma_start3A_221 = arith.constant 0 : i32
      %dma_start3A_222 = tpu.memref_slice %arg4[%add3A_218, %dma_start3A_221] : memref<204800x128xf32, #tpu.memory_space<hbm>> -> memref<128x128xf32, #tpu.memory_space<hbm>>
      tpu.enqueue_dma source(%arg10 : memref<128x128xf32, #tpu.memory_space<vmem>>) target(%dma_start3A_222 : memref<128x128xf32, #tpu.memory_space<hbm>>) target_semaphore(%arg24 : memref<!tpu.dma_semaphore, #tpu.memory_space<semaphore_mem>>)
      %add3A_223 = arith.constant 7 : i32
      %add3A_224 = arith.addi %add3A_209, %add3A_223 : i32
      %lt3A_225 = arith.constant 50 : i32
      %lt3A_226 = arith.cmpi slt, %add3A_224, %lt3A_225 : i32
      %convert_element_type3A_227 = arith.extui %lt3A_226 : i1 to i32
      %cond3A_228 = arith.constant 0 : i32
      %cond3A_229 = arith.cmpi ne, %convert_element_type3A_227, %cond3A_228 : i32
      scf.if %cond3A_229 {
        %mul3A_279 = arith.constant 4096 : i32
        %mul3A_280 = arith.muli %add3A_209, %mul3A_279 : i32
        %add3A_281 = arith.addi %mul3A_280, %mul3A_2 : i32
        %dma_wait3A_282 = arith.constant 0 : i32
        %dma_wait3A_283 = tpu.memref_slice %arg4[%add3A_281, %dma_wait3A_282] : memref<204800x128xf32, #tpu.memory_space<hbm>> -> memref<128x128xf32, #tpu.memory_space<hbm>>
        %dma_wait3A_284 = arith.constant 0 : i32
        %dma_wait3A_285 = tpu.memref_slice %arg4[%add3A_281, %dma_wait3A_284] : memref<204800x128xf32, #tpu.memory_space<hbm>> -> memref<128x128xf32, #tpu.memory_space<hbm>>
        tpu.wait_dma2 semaphore(%arg24 : memref<!tpu.dma_semaphore, #tpu.memory_space<semaphore_mem>>) src(%arg10 : memref<128x128xf32, #tpu.memory_space<vmem>>) dst(%dma_wait3A_285 : memref<128x128xf32, #tpu.memory_space<hbm>>)
        %add3A_286 = arith.constant 7 : i32
        %add3A_287 = arith.addi %add3A_209, %add3A_286 : i32
        %dma_start3A_288 = arith.constant 0 : i32
        %dma_start3A_289 = tpu.memref_slice %arg5[%add3A_287, %dma_start3A_288] : memref<50x128xi32, #tpu.memory_space<vmem>> -> memref<1x128xi32, #tpu.memory_space<vmem>>
        %dma_start3A_290 = tpu.memref_squeeze %dma_start3A_289 : memref<1x128xi32, #tpu.memory_space<vmem>> -> memref<128xi32, #tpu.memory_space<vmem>>
        %dma_start3A_291 = arith.constant 0 : i32
        %dma_start3A_292 = arith.constant 0 : i32
        %dma_start3A_293 = tpu.memref_slice %arg2[%dma_start3A_291, %dma_start3A_292] : memref<100000x128xf32, #tpu.memory_space<hbm>> -> memref<100000x128xf32, #tpu.memory_space<hbm>>
        tpu.enqueue_indirect_dma source(%dma_start3A_293 : memref<100000x128xf32, #tpu.memory_space<hbm>>) target(%arg10 : memref<128x128xf32, #tpu.memory_space<vmem>>) offsets(%dma_start3A_290 : memref<128xi32, #tpu.memory_space<vmem>>) semaphore(%arg17 : memref<!tpu.dma_semaphore, #tpu.memory_space<semaphore_mem>>)
      } else {
      }
      %mul3A_230 = arith.constant 7 : i32
      %mul3A_231 = arith.muli %scan3A_111, %mul3A_230 : i32
      %add3A_232 = arith.constant 5 : i32
      %add3A_233 = arith.addi %mul3A_231, %add3A_232 : i32
      %dma_wait3A_234 = arith.constant 0 : i32
      %dma_wait3A_235 = tpu.memref_slice %arg5[%add3A_233, %dma_wait3A_234] : memref<50x128xi32, #tpu.memory_space<vmem>> -> memref<1x128xi32, #tpu.memory_space<vmem>>
      %dma_wait3A_236 = tpu.memref_squeeze %dma_wait3A_235 : memref<1x128xi32, #tpu.memory_space<vmem>> -> memref<128xi32, #tpu.memory_space<vmem>>
      %dma_wait3A_237 = arith.constant 0 : i32
      %dma_wait3A_238 = arith.constant 0 : i32
      %dma_wait3A_239 = tpu.memref_slice %arg2[%dma_wait3A_237, %dma_wait3A_238] : memref<100000x128xf32, #tpu.memory_space<hbm>> -> memref<100000x128xf32, #tpu.memory_space<hbm>>
      tpu.wait_indirect_dma semaphore(%arg18 : memref<!tpu.dma_semaphore, #tpu.memory_space<semaphore_mem>>) src(%dma_wait3A_239 : memref<100000x128xf32, #tpu.memory_space<hbm>>) dst(%arg11 : memref<128x128xf32, #tpu.memory_space<vmem>>)
      %mul3A_240 = arith.constant 4096 : i32
      %mul3A_241 = arith.muli %add3A_233, %mul3A_240 : i32
      %add3A_242 = arith.addi %mul3A_241, %mul3A_2 : i32
      %dma_start3A_243 = arith.constant 0 : i32
      %dma_start3A_244 = tpu.memref_slice %arg4[%add3A_242, %dma_start3A_243] : memref<204800x128xf32, #tpu.memory_space<hbm>> -> memref<128x128xf32, #tpu.memory_space<hbm>>
      %dma_start3A_245 = arith.constant 0 : i32
      %dma_start3A_246 = tpu.memref_slice %arg4[%add3A_242, %dma_start3A_245] : memref<204800x128xf32, #tpu.memory_space<hbm>> -> memref<128x128xf32, #tpu.memory_space<hbm>>
      tpu.enqueue_dma source(%arg11 : memref<128x128xf32, #tpu.memory_space<vmem>>) target(%dma_start3A_246 : memref<128x128xf32, #tpu.memory_space<hbm>>) target_semaphore(%arg25 : memref<!tpu.dma_semaphore, #tpu.memory_space<semaphore_mem>>)
      %add3A_247 = arith.constant 7 : i32
      %add3A_248 = arith.addi %add3A_233, %add3A_247 : i32
      %lt3A_249 = arith.constant 50 : i32
      %lt3A_250 = arith.cmpi slt, %add3A_248, %lt3A_249 : i32
      %convert_element_type3A_251 = arith.extui %lt3A_250 : i1 to i32
      %cond3A_252 = arith.constant 0 : i32
      %cond3A_253 = arith.cmpi ne, %convert_element_type3A_251, %cond3A_252 : i32
      scf.if %cond3A_253 {
        %mul3A_279 = arith.constant 4096 : i32
        %mul3A_280 = arith.muli %add3A_233, %mul3A_279 : i32
        %add3A_281 = arith.addi %mul3A_280, %mul3A_2 : i32
        %dma_wait3A_282 = arith.constant 0 : i32
        %dma_wait3A_283 = tpu.memref_slice %arg4[%add3A_281, %dma_wait3A_282] : memref<204800x128xf32, #tpu.memory_space<hbm>> -> memref<128x128xf32, #tpu.memory_space<hbm>>
        %dma_wait3A_284 = arith.constant 0 : i32
        %dma_wait3A_285 = tpu.memref_slice %arg4[%add3A_281, %dma_wait3A_284] : memref<204800x128xf32, #tpu.memory_space<hbm>> -> memref<128x128xf32, #tpu.memory_space<hbm>>
        tpu.wait_dma2 semaphore(%arg25 : memref<!tpu.dma_semaphore, #tpu.memory_space<semaphore_mem>>) src(%arg11 : memref<128x128xf32, #tpu.memory_space<vmem>>) dst(%dma_wait3A_285 : memref<128x128xf32, #tpu.memory_space<hbm>>)
        %add3A_286 = arith.constant 7 : i32
        %add3A_287 = arith.addi %add3A_233, %add3A_286 : i32
        %dma_start3A_288 = arith.constant 0 : i32
        %dma_start3A_289 = tpu.memref_slice %arg5[%add3A_287, %dma_start3A_288] : memref<50x128xi32, #tpu.memory_space<vmem>> -> memref<1x128xi32, #tpu.memory_space<vmem>>
        %dma_start3A_290 = tpu.memref_squeeze %dma_start3A_289 : memref<1x128xi32, #tpu.memory_space<vmem>> -> memref<128xi32, #tpu.memory_space<vmem>>
        %dma_start3A_291 = arith.constant 0 : i32
        %dma_start3A_292 = arith.constant 0 : i32
        %dma_start3A_293 = tpu.memref_slice %arg2[%dma_start3A_291, %dma_start3A_292] : memref<100000x128xf32, #tpu.memory_space<hbm>> -> memref<100000x128xf32, #tpu.memory_space<hbm>>
        tpu.enqueue_indirect_dma source(%dma_start3A_293 : memref<100000x128xf32, #tpu.memory_space<hbm>>) target(%arg11 : memref<128x128xf32, #tpu.memory_space<vmem>>) offsets(%dma_start3A_290 : memref<128xi32, #tpu.memory_space<vmem>>) semaphore(%arg18 : memref<!tpu.dma_semaphore, #tpu.memory_space<semaphore_mem>>)
      } else {
      }
      %mul3A_254 = arith.constant 7 : i32
      %mul3A_255 = arith.muli %scan3A_111, %mul3A_254 : i32
      %add3A_256 = arith.constant 6 : i32
      %add3A_257 = arith.addi %mul3A_255, %add3A_256 : i32
      %dma_wait3A_258 = arith.constant 0 : i32
      %dma_wait3A_259 = tpu.memref_slice %arg5[%add3A_257, %dma_wait3A_258] : memref<50x128xi32, #tpu.memory_space<vmem>> -> memref<1x128xi32, #tpu.memory_space<vmem>>
      %dma_wait3A_260 = tpu.memref_squeeze %dma_wait3A_259 : memref<1x128xi32, #tpu.memory_space<vmem>> -> memref<128xi32, #tpu.memory_space<vmem>>
      %dma_wait3A_261 = arith.constant 0 : i32
      %dma_wait3A_262 = arith.constant 0 : i32
      %dma_wait3A_263 = tpu.memref_slice %arg2[%dma_wait3A_261, %dma_wait3A_262] : memref<100000x128xf32, #tpu.memory_space<hbm>> -> memref<100000x128xf32, #tpu.memory_space<hbm>>
      tpu.wait_indirect_dma semaphore(%arg19 : memref<!tpu.dma_semaphore, #tpu.memory_space<semaphore_mem>>) src(%dma_wait3A_263 : memref<100000x128xf32, #tpu.memory_space<hbm>>) dst(%arg12 : memref<128x128xf32, #tpu.memory_space<vmem>>)
      %mul3A_264 = arith.constant 4096 : i32
      %mul3A_265 = arith.muli %add3A_257, %mul3A_264 : i32
      %add3A_266 = arith.addi %mul3A_265, %mul3A_2 : i32
      %dma_start3A_267 = arith.constant 0 : i32
      %dma_start3A_268 = tpu.memref_slice %arg4[%add3A_266, %dma_start3A_267] : memref<204800x128xf32, #tpu.memory_space<hbm>> -> memref<128x128xf32, #tpu.memory_space<hbm>>
      %dma_start3A_269 = arith.constant 0 : i32
      %dma_start3A_270 = tpu.memref_slice %arg4[%add3A_266, %dma_start3A_269] : memref<204800x128xf32, #tpu.memory_space<hbm>> -> memref<128x128xf32, #tpu.memory_space<hbm>>
      tpu.enqueue_dma source(%arg12 : memref<128x128xf32, #tpu.memory_space<vmem>>) target(%dma_start3A_270 : memref<128x128xf32, #tpu.memory_space<hbm>>) target_semaphore(%arg26 : memref<!tpu.dma_semaphore, #tpu.memory_space<semaphore_mem>>)
      %add3A_271 = arith.constant 7 : i32
      %add3A_272 = arith.addi %add3A_257, %add3A_271 : i32
      %lt3A_273 = arith.constant 50 : i32
      %lt3A_274 = arith.cmpi slt, %add3A_272, %lt3A_273 : i32
      %convert_element_type3A_275 = arith.extui %lt3A_274 : i1 to i32
      %cond3A_276 = arith.constant 0 : i32
      %cond3A_277 = arith.cmpi ne, %convert_element_type3A_275, %cond3A_276 : i32
      scf.if %cond3A_277 {
        %mul3A_279 = arith.constant 4096 : i32
        %mul3A_280 = arith.muli %add3A_257, %mul3A_279 : i32
        %add3A_281 = arith.addi %mul3A_280, %mul3A_2 : i32
        %dma_wait3A_282 = arith.constant 0 : i32
        %dma_wait3A_283 = tpu.memref_slice %arg4[%add3A_281, %dma_wait3A_282] : memref<204800x128xf32, #tpu.memory_space<hbm>> -> memref<128x128xf32, #tpu.memory_space<hbm>>
        %dma_wait3A_284 = arith.constant 0 : i32
        %dma_wait3A_285 = tpu.memref_slice %arg4[%add3A_281, %dma_wait3A_284] : memref<204800x128xf32, #tpu.memory_space<hbm>> -> memref<128x128xf32, #tpu.memory_space<hbm>>
        tpu.wait_dma2 semaphore(%arg26 : memref<!tpu.dma_semaphore, #tpu.memory_space<semaphore_mem>>) src(%arg12 : memref<128x128xf32, #tpu.memory_space<vmem>>) dst(%dma_wait3A_285 : memref<128x128xf32, #tpu.memory_space<hbm>>)
        %add3A_286 = arith.constant 7 : i32
        %add3A_287 = arith.addi %add3A_257, %add3A_286 : i32
        %dma_start3A_288 = arith.constant 0 : i32
        %dma_start3A_289 = tpu.memref_slice %arg5[%add3A_287, %dma_start3A_288] : memref<50x128xi32, #tpu.memory_space<vmem>> -> memref<1x128xi32, #tpu.memory_space<vmem>>
        %dma_start3A_290 = tpu.memref_squeeze %dma_start3A_289 : memref<1x128xi32, #tpu.memory_space<vmem>> -> memref<128xi32, #tpu.memory_space<vmem>>
        %dma_start3A_291 = arith.constant 0 : i32
        %dma_start3A_292 = arith.constant 0 : i32
        %dma_start3A_293 = tpu.memref_slice %arg2[%dma_start3A_291, %dma_start3A_292] : memref<100000x128xf32, #tpu.memory_space<hbm>> -> memref<100000x128xf32, #tpu.memory_space<hbm>>
        tpu.enqueue_indirect_dma source(%dma_start3A_293 : memref<100000x128xf32, #tpu.memory_space<hbm>>) target(%arg12 : memref<128x128xf32, #tpu.memory_space<vmem>>) offsets(%dma_start3A_290 : memref<128xi32, #tpu.memory_space<vmem>>) semaphore(%arg19 : memref<!tpu.dma_semaphore, #tpu.memory_space<semaphore_mem>>)
      } else {
      }
      %scan3A_278 = arith.constant 0 : i32
      scf.yield %scan3A_278 : i32
    }
    %scan3A_56 = arith.constant 7 : i32
    %dma_wait3A = arith.constant 49 : i32
    %dma_wait3A_57 = arith.constant 0 : i32
    %dma_wait3A_58 = tpu.memref_slice %arg5[%dma_wait3A, %dma_wait3A_57] : memref<50x128xi32, #tpu.memory_space<vmem>> -> memref<1x128xi32, #tpu.memory_space<vmem>>
    %dma_wait3A_59 = tpu.memref_squeeze %dma_wait3A_58 : memref<1x128xi32, #tpu.memory_space<vmem>> -> memref<128xi32, #tpu.memory_space<vmem>>
    %dma_wait3A_60 = arith.constant 0 : i32
    %dma_wait3A_61 = arith.constant 0 : i32
    %dma_wait3A_62 = tpu.memref_slice %arg2[%dma_wait3A_60, %dma_wait3A_61] : memref<100000x128xf32, #tpu.memory_space<hbm>> -> memref<100000x128xf32, #tpu.memory_space<hbm>>
    tpu.wait_indirect_dma semaphore(%arg13 : memref<!tpu.dma_semaphore, #tpu.memory_space<semaphore_mem>>) src(%dma_wait3A_62 : memref<100000x128xf32, #tpu.memory_space<hbm>>) dst(%arg6 : memref<128x128xf32, #tpu.memory_space<vmem>>)
    %add3A_63 = arith.constant 200704 : i32
    %add3A_64 = arith.addi %add3A_63, %mul3A_2 : i32
    %dma_start3A_65 = arith.constant 0 : i32
    %dma_start3A_66 = tpu.memref_slice %arg4[%add3A_64, %dma_start3A_65] : memref<204800x128xf32, #tpu.memory_space<hbm>> -> memref<128x128xf32, #tpu.memory_space<hbm>>
    %dma_start3A_67 = arith.constant 0 : i32
    %dma_start3A_68 = tpu.memref_slice %arg4[%add3A_64, %dma_start3A_67] : memref<204800x128xf32, #tpu.memory_space<hbm>> -> memref<128x128xf32, #tpu.memory_space<hbm>>
    tpu.enqueue_dma source(%arg6 : memref<128x128xf32, #tpu.memory_space<vmem>>) target(%dma_start3A_68 : memref<128x128xf32, #tpu.memory_space<hbm>>) target_semaphore(%arg20 : memref<!tpu.dma_semaphore, #tpu.memory_space<semaphore_mem>>)
    %add3A_69 = arith.constant 176128 : i32
    %add3A_70 = arith.addi %add3A_69, %mul3A_2 : i32
    %dma_wait3A_71 = arith.constant 0 : i32
    %dma_wait3A_72 = tpu.memref_slice %arg4[%add3A_70, %dma_wait3A_71] : memref<204800x128xf32, #tpu.memory_space<hbm>> -> memref<128x128xf32, #tpu.memory_space<hbm>>
    %dma_wait3A_73 = arith.constant 0 : i32
    %dma_wait3A_74 = tpu.memref_slice %arg4[%add3A_70, %dma_wait3A_73] : memref<204800x128xf32, #tpu.memory_space<hbm>> -> memref<128x128xf32, #tpu.memory_space<hbm>>
    tpu.wait_dma2 semaphore(%arg21 : memref<!tpu.dma_semaphore, #tpu.memory_space<semaphore_mem>>) src(%arg7 : memref<128x128xf32, #tpu.memory_space<vmem>>) dst(%dma_wait3A_74 : memref<128x128xf32, #tpu.memory_space<hbm>>)
    %add3A_75 = arith.constant 180224 : i32
    %add3A_76 = arith.addi %add3A_75, %mul3A_2 : i32
    %dma_wait3A_77 = arith.constant 0 : i32
    %dma_wait3A_78 = tpu.memref_slice %arg4[%add3A_76, %dma_wait3A_77] : memref<204800x128xf32, #tpu.memory_space<hbm>> -> memref<128x128xf32, #tpu.memory_space<hbm>>
    %dma_wait3A_79 = arith.constant 0 : i32
    %dma_wait3A_80 = tpu.memref_slice %arg4[%add3A_76, %dma_wait3A_79] : memref<204800x128xf32, #tpu.memory_space<hbm>> -> memref<128x128xf32, #tpu.memory_space<hbm>>
    tpu.wait_dma2 semaphore(%arg22 : memref<!tpu.dma_semaphore, #tpu.memory_space<semaphore_mem>>) src(%arg8 : memref<128x128xf32, #tpu.memory_space<vmem>>) dst(%dma_wait3A_80 : memref<128x128xf32, #tpu.memory_space<hbm>>)
    %add3A_81 = arith.constant 184320 : i32
    %add3A_82 = arith.addi %add3A_81, %mul3A_2 : i32
    %dma_wait3A_83 = arith.constant 0 : i32
    %dma_wait3A_84 = tpu.memref_slice %arg4[%add3A_82, %dma_wait3A_83] : memref<204800x128xf32, #tpu.memory_space<hbm>> -> memref<128x128xf32, #tpu.memory_space<hbm>>
    %dma_wait3A_85 = arith.constant 0 : i32
    %dma_wait3A_86 = tpu.memref_slice %arg4[%add3A_82, %dma_wait3A_85] : memref<204800x128xf32, #tpu.memory_space<hbm>> -> memref<128x128xf32, #tpu.memory_space<hbm>>
    tpu.wait_dma2 semaphore(%arg23 : memref<!tpu.dma_semaphore, #tpu.memory_space<semaphore_mem>>) src(%arg9 : memref<128x128xf32, #tpu.memory_space<vmem>>) dst(%dma_wait3A_86 : memref<128x128xf32, #tpu.memory_space<hbm>>)
    %add3A_87 = arith.constant 188416 : i32
    %add3A_88 = arith.addi %add3A_87, %mul3A_2 : i32
    %dma_wait3A_89 = arith.constant 0 : i32
    %dma_wait3A_90 = tpu.memref_slice %arg4[%add3A_88, %dma_wait3A_89] : memref<204800x128xf32, #tpu.memory_space<hbm>> -> memref<128x128xf32, #tpu.memory_space<hbm>>
    %dma_wait3A_91 = arith.constant 0 : i32
    %dma_wait3A_92 = tpu.memref_slice %arg4[%add3A_88, %dma_wait3A_91] : memref<204800x128xf32, #tpu.memory_space<hbm>> -> memref<128x128xf32, #tpu.memory_space<hbm>>
    tpu.wait_dma2 semaphore(%arg24 : memref<!tpu.dma_semaphore, #tpu.memory_space<semaphore_mem>>) src(%arg10 : memref<128x128xf32, #tpu.memory_space<vmem>>) dst(%dma_wait3A_92 : memref<128x128xf32, #tpu.memory_space<hbm>>)
    %add3A_93 = arith.constant 192512 : i32
    %add3A_94 = arith.addi %add3A_93, %mul3A_2 : i32
    %dma_wait3A_95 = arith.constant 0 : i32
    %dma_wait3A_96 = tpu.memref_slice %arg4[%add3A_94, %dma_wait3A_95] : memref<204800x128xf32, #tpu.memory_space<hbm>> -> memref<128x128xf32, #tpu.memory_space<hbm>>
    %dma_wait3A_97 = arith.constant 0 : i32
    %dma_wait3A_98 = tpu.memref_slice %arg4[%add3A_94, %dma_wait3A_97] : memref<204800x128xf32, #tpu.memory_space<hbm>> -> memref<128x128xf32, #tpu.memory_space<hbm>>
    tpu.wait_dma2 semaphore(%arg25 : memref<!tpu.dma_semaphore, #tpu.memory_space<semaphore_mem>>) src(%arg11 : memref<128x128xf32, #tpu.memory_space<vmem>>) dst(%dma_wait3A_98 : memref<128x128xf32, #tpu.memory_space<hbm>>)
    %add3A_99 = arith.constant 196608 : i32
    %add3A_100 = arith.addi %add3A_99, %mul3A_2 : i32
    %dma_wait3A_101 = arith.constant 0 : i32
    %dma_wait3A_102 = tpu.memref_slice %arg4[%add3A_100, %dma_wait3A_101] : memref<204800x128xf32, #tpu.memory_space<hbm>> -> memref<128x128xf32, #tpu.memory_space<hbm>>
    %dma_wait3A_103 = arith.constant 0 : i32
    %dma_wait3A_104 = tpu.memref_slice %arg4[%add3A_100, %dma_wait3A_103] : memref<204800x128xf32, #tpu.memory_space<hbm>> -> memref<128x128xf32, #tpu.memory_space<hbm>>
    tpu.wait_dma2 semaphore(%arg26 : memref<!tpu.dma_semaphore, #tpu.memory_space<semaphore_mem>>) src(%arg12 : memref<128x128xf32, #tpu.memory_space<vmem>>) dst(%dma_wait3A_104 : memref<128x128xf32, #tpu.memory_space<hbm>>)
    %add3A_105 = arith.constant 200704 : i32
    %add3A_106 = arith.addi %add3A_105, %mul3A_2 : i32
    %dma_wait3A_107 = arith.constant 0 : i32
    %dma_wait3A_108 = tpu.memref_slice %arg4[%add3A_106, %dma_wait3A_107] : memref<204800x128xf32, #tpu.memory_space<hbm>> -> memref<128x128xf32, #tpu.memory_space<hbm>>
    %dma_wait3A_109 = arith.constant 0 : i32
    %dma_wait3A_110 = tpu.memref_slice %arg4[%add3A_106, %dma_wait3A_109] : memref<204800x128xf32, #tpu.memory_space<hbm>> -> memref<128x128xf32, #tpu.memory_space<hbm>>
    tpu.wait_dma2 semaphore(%arg20 : memref<!tpu.dma_semaphore, #tpu.memory_space<semaphore_mem>>) src(%arg6 : memref<128x128xf32, #tpu.memory_space<vmem>>) dst(%dma_wait3A_110 : memref<128x128xf32, #tpu.memory_space<hbm>>)
    return
  }
}

</mosaic_0001>

<sc_bundles>
// kernel: kernel.3.cloned.1.call-start
scs
__scs_entry_jumppad:
0x0: {  	(pc) =	sbr.rel $0x88, $3  }
0x1: {  	(tag) =	ssettag $0x0;
	lr =	simm.s32 $0x1  }
0x2: {  	[smem:$0x3F9F] =	sst lr;
	_ =	strace $0xD0000000  }
0x3: {  	_ = 	snop  }
0x4: {  	_ = 	snop  }
0x5: {  	_ = 	snop  }
0x6: {  	_ = 	snop  }
0x7: {  	_ = 	snop  }
__scs_overlays_trampoline_lowered:
0x8: {  	[smem:$0x3FAE] =	sst s0  }
0x9: {  	[smem:$0x3FAF] =	sst s1  }
0xa: {  	[smem:$0x3FB0] =	sst s2  }
0xb: {  	[smem:$0x3FB1] =	sst s3  }
0xc: {  	[smem:$0x3FB2] =	sst s4  }
0xd: {  	[smem:$0x3FB3] =	sst s5  }
0xe: {  	[smem:$0x3FB4] =	sst s6  }
0xf: {  	[smem:$0x3FB5] =	sst s7  }
0x10: {  	[smem:$0x3FB6] =	sst s8  }
0x11: {  	[smem:$0x3FB7] =	sst s9;
	s0 =	simm.s32 @!p0 $0x0  }
0x12: {  	s1 =	sld [smem:$0x3F9D];
	s0 =	simm.s32 @p0 $0x1  }
0x13: {  	[smem:$0x3FB8] =	sst s0;
	s0 =	simm.s32 @!p1 $0x0  }
0x14: {  	s2 =	sld [smem:$0x3F9C];
	s0 =	simm.s32 @p1 $0x1  }
0x15: {  	[smem:$0x3FB9] =	sst s0;
	s0 =	simm.s32 @!p2 $0x0  }
0x16: {  	s3 =	sld [smem:$0x3FDB];
	s0 =	simm.s32 @p2 $0x1  }
0x17: {  	s4 =	simm.s32 $0x1BF5;
	[smem:$0x3FBB] =	sst s0  }
0x18: {  	s0 =	sld [smem:$0x3F9E];
	_ =	swait.ge [sflag:s4], $0x0  }
0x19: {  	s7 =	sld [smem:$0x3F9F]  }
0x1a: {  	s8 =	sadd.s32 $0xFFFFE003, lr  }
0x1b: {  	s9 =	sadd.s32 $0xFFFFFEF7, lr;
	s5 =	simm.s32 $0xFFFFFFFF;
	p2 =	slt.u32 s8, $0xFFFFF086  }
0x1c: {  	p1 =	slt.u32 s9, $0xF7A;
	s5 =	simm.s32 @!p2 $0x0  }
0x1d: {  	s5 =	simm.s32 @p1 $0x1;
	p0 =	seq.s32 s7, s2  }
0x1e: {  	s7 =	smul.u32 @!p0 $0xF7A, s2;
	p2 =	seq.s32 @!p0 s5, $0x0  }
0x1f: {  	s9 =	smul.u32 $0xF7A, s1;
	s8 =	simm.s32 @!p0 $0x1BF5;
	p2 =	por !p2, p0  }
0x20: {  	[sflag:s8] =	ssyncset.s32 @!p0 $0xFFFFF086;
	s6 =	sadd.s32 @!p0 s3, s7;
	s7 =	simm.s32 @!p0 $0x108  }
0x21: {  	s3 =	sadd.s32 s3, s9;
	s6 =	sadd.s32 @!p0 $0x88, s6;
	s7 =	simm.s32 @p2 $0x1082  }
0x22: {  	[simem:s7], [sflag:s8] =	dma.local @!p0 [hbm:s6], $0xF7A  }
0x23: {  	s9 =	sor.u32 $0xD0000000, s2;
	s6 =	simm.s32 $0x108;
	_ =	swait.ge @!p0 [sflag:s8], $0x0  }
0x24: {  	s3 =	sadd.s32 $0x88, s3;
	s6 =	simm.s32 @!p1 $0x1082;
	[sflag:s4] =	ssyncset.s32 $0xFFFFF086  }
0x25: {  	[simem:s6], [sflag:s4] =	dma.local [hbm:s3], $0xF7A  }
0x26: {  	[smem:$0x3F9F] =	sst s1;
	(tag) =	ssettag s2;
	_ =	strace s9  }
0x27: {  	s1 =	sld [smem:$0x3FAF]  }
0x28: {  	s2 =	sld [smem:$0x3FB0]  }
0x29: {  	s4 =	sld [smem:$0x3FB2]  }
0x2a: {  	p0 =	seq.s32 s5, $0x0;
	s5 =	sld [smem:$0x3FB3]  }
0x2b: {  	s6 =	sld [smem:$0x3FB4]  }
0x2c: {  	s7 =	sld [smem:$0x3FB5]  }
0x2d: {  	s3 =	simm.s32 $0x108;
	s8 =	sld [smem:$0x3FB6]  }
0x2e: {  	s3 =	simm.s32 @!p0 $0x1082;
	s9 =	sld [smem:$0x3FB7]  }
0x2f: {  	lr =	sadd.s32 s0, s3;
	s0 =	sld [smem:$0x3FAE]  }
0x30: {  	s3 =	sld [smem:$0x3FB1]  }
0x31: {  	[smem:$0x3FBA] =	sst s10  }
0x32: {  	s10 =	sld [smem:$0x3FB8];
	_ =	sdelay $0x3  }
0x33: {  	p0 =	seq.s32 s10, $0x1;
	s10 =	sld [smem:$0x3FBA];
	_ =	sdelay $0x3  }
0x34: {  	[smem:$0x3FBA] =	sst s10  }
0x35: {  	s10 =	sld [smem:$0x3FB9];
	_ =	sdelay $0x3  }
0x36: {  	p1 =	seq.s32 s10, $0x1;
	s10 =	sld [smem:$0x3FBA];
	_ =	sdelay $0x3  }
0x37: {  	[smem:$0x3FBA] =	sst s10  }
0x38: {  	s10 =	sld [smem:$0x3FBB]  }
0x39: {  	_ = 	snop;
	(pc) =	sbr.ind lr, $3  }
0x3a: {  	_ = 	snop  }
0x3b: {  	_ = 	snop  }
0x3c: {  	p2 =	seq.s32 s10, $0x1;
	s10 =	sld [smem:$0x3FBA]  }
0x3d: {  	_ =	shalt  }
0x3e: {  	_ =	shalt  }
0x3f: {  	_ =	shalt  }
0x40: {  	_ =	shalt  }
0x41: {  	_ =	shalt  }
0x42: {  	_ =	shalt  }
0x43: {  	_ =	shalt  }
0x44: {  	_ =	shalt  }
0x45: {  	_ =	shalt  }
0x46: {  	_ =	shalt  }
0x47: {  	_ =	shalt  }
0x48: {  	_ =	shalt  }
0x49: {  	_ =	shalt  }
0x4a: {  	_ =	shalt  }
0x4b: {  	_ =	shalt  }
0x4c: {  	_ =	shalt  }
0x4d: {  	_ =	shalt  }
0x4e: {  	_ =	shalt  }
0x4f: {  	_ =	shalt  }
0x50: {  	_ =	shalt  }
0x51: {  	_ =	shalt  }
0x52: {  	_ =	shalt  }
0x53: {  	_ =	shalt  }
0x54: {  	_ =	shalt  }
0x55: {  	_ =	shalt  }
0x56: {  	_ =	shalt  }
0x57: {  	_ =	shalt  }
0x58: {  	_ =	shalt  }
0x59: {  	_ =	shalt  }
0x5a: {  	_ =	shalt  }
0x5b: {  	_ =	shalt  }
0x5c: {  	_ =	shalt  }
0x5d: {  	_ =	shalt  }
0x5e: {  	_ =	shalt  }
0x5f: {  	_ =	shalt  }
0x60: {  	_ =	shalt  }
0x61: {  	_ =	shalt  }
0x62: {  	_ =	shalt  }
0x63: {  	_ =	shalt  }
0x64: {  	_ =	shalt  }
0x65: {  	_ =	shalt  }
0x66: {  	_ =	shalt  }
0x67: {  	_ =	shalt  }
0x68: {  	_ =	shalt  }
0x69: {  	_ =	shalt  }
0x6a: {  	_ =	shalt  }
0x6b: {  	_ =	shalt  }
0x6c: {  	_ =	shalt  }
0x6d: {  	_ =	shalt  }
0x6e: {  	_ =	shalt  }
0x6f: {  	_ =	shalt  }
0x70: {  	_ =	shalt  }
0x71: {  	_ =	shalt  }
0x72: {  	_ =	shalt  }
0x73: {  	_ =	shalt  }
0x74: {  	_ =	shalt  }
0x75: {  	_ =	shalt  }
0x76: {  	_ =	shalt  }
0x77: {  	_ =	shalt  }
0x78: {  	_ =	shalt  }
0x79: {  	_ =	shalt  }
0x7a: {  	_ =	shalt  }
0x7b: {  	_ =	shalt  }
0x7c: {  	_ =	shalt  }
0x7d: {  	_ =	shalt  }
0x7e: {  	_ =	shalt  }
0x7f: {  	_ =	shalt  }
0x80: {  	_ =	shalt  }
0x81: {  	_ =	shalt  }
0x82: {  	_ =	shalt  }
0x83: {  	_ =	shalt  }
0x84: {  	_ =	shalt  }
0x85: {  	_ =	shalt  }
0x86: {  	_ =	shalt  }
0x87: {  	_ =	shalt  }
.Lfunc_end0:
.L_simem_size_0:
called_computation_lowered:
.L_overlay_start_0:
0x88: {  	s2 =	sld [smem:$0x3FD9]  }
0x89: {  	s3 =	sld [smem:$0x3FFE];
	_ =	sdelay $0x1  }
0x8a: {  	s1 =	srdreg.scid  }
0x8b: {  	s0 =	sand.u32 $0x1, s1  }
0x8c: {  	s18 =	sshll.u32 s0, $0xA;
	s2 =	sadd.s32 s3, s2  }
0x8d: {  	s2 =	sadd.s32 s2, s18  }
0x8e: {  	[smem:$0x3FC6] =	sst s2  }
0x8f: {  	_ = 	snop  }
0x90: {  	s2 =	sld [smem:$0x3FC9]  }
0x91: {  	s19 =	sld [smem:$0x3FC8]  }
0x92: {  	s4 =	sld [smem:$0x3FD0];
	(tm) =	ssettm $0x1  }
0x93: {  	s5 =	sld [smem:$0x3FFB];
	_ =	sdelay $0x3  }
0x94: {  	_ =	strace s5  }
0x95: {  	s5 =	sld [smem:$0x3FFC];
	_ =	sdelay $0x3  }
0x96: {  	_ =	strace s5  }
0x97: {  	s5 =	sld [smem:$0x3FFD];
	_ =	sdelay $0x3  }
0x98: {  	_ =	strace s5  }
0x99: {  	_ =	strace $0x8FFFFFFF  }
0x9a: {  	s20 =	sld [smem:$0x3FDB];
	_ =	sdelay $0x1  }
0x9b: {  	s6 =	simm.s32 $_scs_section_size  }
0x9c: {  	s7 =	simm.s32 $_size__tile_overlayer_lowered;
	s8 =	simm.s32 $_tile_overlayer_lowered  }
0x9d: {  	s23 =	simm.s32 $0x1BFF;
	s22 =	sshll.u32 s8, $0x1;
	s5 =	sadd.s32 s6, s20  }
0x9e: {  	s9 =	simm.s32 $0x0;
	s21 =	sshll.u32 s7, $0x1;
	s7 =	sadd.s32 s22, s5  }
0x9f: {  	[timem:s9], [sflag:s23] =	dma.local [hbm:s7], s21  }
0xa0: {  	_ =	swait.ge [sflag:s23], s21  }
0xa1: {  	s6 =	ssub.s32 $0x0, s21;
	[sflag:s23] =	ssyncset.done $0x0  }
0xa2: {  	[sflag:s23] =	ssyncadd.s32 s6;
	_ =	sdelay $0x1  }
0xa3: {  	s24 =	simm.s32 $0x1B8B  }
0xa4: {  	_ =	swait.ge [sflag:s24], $0x1  }
0xa5: {  	[sflag:s24] =	ssyncset.done $0x0  }
0xa6: {  	s25 =	simm.s32 $0x1B8E;
	[sflag:s24] =	ssyncadd.s32 $0xFFFFFFFF  }
0xa7: {  	s26 =	simm.s32 $execute0_lowered;
	[smem:$0x3FD2] =	sst s25  }
0xa8: {  	s6 =	sshll.u32 s26, $0x1;
	_ =	strace $0x80000046;
	[dreg:$0x1] =	wrdreg $0xFFFFFFFF  }
0xa9: {  	s28 =	simm.s32 $_size_execute0_lowered;
	s5 =	sadd.s32 s5, s6;
	[dreg:$0x0] =	wrdreg $0x0  }
0xaa: {  	s6 =	sshll.u32 s28, $0x1;
	[dreg:$0x2] =	wrdreg s5  }
0xab: {  	[dreg:$0x3] =	wrdreg s6  }
0xac: {  	[dreg:$0x4] =	wrdreg $0xC0  }
0xad: {  	_ =	task [dreg:s9], $0x5FFFF  }
0xae: {  	[dreg:$0x1] =	wrdreg $0xFFFFFFFF  }
0xaf: {  	[dreg:$0x0] =	wrdreg $0x60  }
0xb0: {  	[dreg:$0x2] =	wrdreg s19  }
0xb1: {  	[dreg:$0x3] =	wrdreg s2  }
0xb2: {  	[dreg:$0x4] =	wrdreg s4  }
0xb3: {  	[dreg:$0x5] =	wrdreg $0x9  }
0xb4: {  	_ =	task.clear_ibuf [dreg:s9], $0x6FFFF;
	_ =	strace $0x90000046  }
0xb5: {  	s29 =	simm.s32 $0x9;
	_ =	strace $0x80000048  }
0xb6: {  	_ =	swait.ge [sflag:s29], $0x1  }
0xb7: {  	[sflag:s29] =	ssyncadd.s32 $0xFFFFFFFF  }
0xb8: {  	_ =	strace $0x90000048  }
0xb9: {  	_ =	sfence  }
0xba: {  	s30 =	sld [smem:$0x0];
	_ =	sdelay $0x2  }
0xbb: {  	s31 =	sshll.u32 s1, $0xD;
	s1 =	sshrl.u32 s1, $0x2  }
0xbc: {  	s3 =	sand.u32 $0x4000, s31;
	s1 =	sadd.s32 s1, s30  }
0xbd: {  	s0 =	sor.u32 s3, s0;
	s1 =	sshll.u32 s1, $0x11  }
0xbe: {  	s0 =	sor.u32 s1, s0  }
0xbf: {  	s0 =	sadd.s32 $0x8F2B, s0  }
0xc0: {  	[sflag:s0] =	ssyncadd.remote.s32 $0x1  }
0xc1: {  	_ =	sfence.sel $0xFFFF  }
0xc2: {  	[dreg:$0x0] =	wrdreg $0xFFFFFFFF;
	(pc) =	sbr.abs _section_cstart, $3  }
0xc3: {  	[dreg:$0x1] =	wrdreg $0xFFFFFFFF  }
0xc4: {  	_ =	task.clear_ibuf [dreg:s9], $0x2FFFF;
	_ =	strace $0x9FFFFFFF  }
0xc5: {  	(tm) =	ssettm $0x7FFFFFFF  }
tec
execute0_lowered:
.L_overlay_start_1:
0x0: {  	(tag) =	ssettag $0x1  }
0x1: {  	s1 =	rddreg [dreg:$0x0]  }
0x2: {  	s0 =	rddreg [dreg:$0x1]  }
0x3: {  	s2 =	rddreg [dreg:$0x2]  }
0x4: {  	s4 =	srdreg.scid;
	s3 =	simm.s32 $0x0;
	s9 =	stileid.u32  }
0x5: {  	s16 =	simm.s32 $0x80;
	s17 =	simm.s32 $0x1C00;
	s18 =	simm.s32 $0x5C00  }
0x6: {  	s29 =	simm.s32 $0x19C00;
	s30 =	simm.s32 $0x1;
	s31 =	simm.s32 $0x8  }
0x7: {  	s12 =	simm.s32 $0x6;
	s13 =	simm.s32 $0x7;
	s20 =	simm.s32 $0xB  }
0x8: {  	s21 =	simm.s32 $0xC;
	s5 =	sand.u32 $0x1, s4;
	[smem:$0x7FF] =	sst s3  }
0x9: {  	s22 =	sshll.u32 s9, $0x8;
	s28 =	sshll.u32 s9, $0xC;
	s6 =	sshll.u32 s5, $0x7  }
0xa: {  	_ =	strace $0x80000047;
	s7 =	ssub.s32 $0x2, s5;
	s5 =	sshll.u32 s5, $0xB  }
0xb: {  	s6 =	sor.u32 s6, s22;
	s8 =	sshrl.u32 s7, $0x1;
	s22 =	simm.s32 $0xDC00  }
0xc: {  	s4 =	sadd.s32 s0, s6;
	s23 =	sshll.u32 s6, $0x4;
	s24 =	ssub.s32 s7, s8  }
0xd: {  	[dreg:$0x4] =	wrdreg s4;
	s4 =	sadd.s32 $0x6000, s4;
	s0 =	sadd.s32 s23, s2  }
0xe: {  	s26 =	smax.u32 s24, $0x1;
	s2 =	sadd.s32 s28, s2;
	s23 =	simm.s32 $0xD  }
.Ltmp0:
0xf: {  	s24 =	simm.s32 $0xE;
	[dreg:$0x5] =	wrdreg s4;
	(pc) =	sbr.rel .LBB2_1-.Ltmp0, $4  }
0x10: {  	s25 =	sadd.s32 $0x310000, s0;
	[dreg:$0x7] =	wrdreg s26;
	s8 =	sadd.s32 $0x2C0000, s0  }
0x11: {  	s9 =	sadd.s32 $0x2E0000, s0;
	s0 =	sadd.s32 $0x300000, s0;
	s11 =	sadd.s32 s5, s2  }
0x12: {  	s26 =	simm.s32 $0x15C00;
	s2 =	simm.s32 $0x4;
	[dreg:$0x6] =	wrdreg s25  }
0x13: {  	[dreg:$0x8] =	wrdreg s0;
	s0 =	simm.s32 $0x2;
	s25 =	simm.s32 $0x0  }
.LBB2_4:
0x14: {  	_ =	swait.ge [sflag:s13], $0x4000  }
0x15: {  	[sflag:s13] =	ssyncset.done $0x0  }
0x16: {  	s4 =	rddreg [dreg:$0x8];
	[sflag:s13] =	ssyncadd.s32 $0xFFFFC000  }
0x17: {  	[hbm4b:s4+s3] =	stream.linear.scatter [tilespmem:s29], [sflag:$0xE], $0x4000, $0x38;
	[tilespmem:$0x1DC00] =	vst v63  }
0x18: {  	_ =	swait.ge [sflag:s30], $0x4000  }
0x19: {  	[sflag:s30] =	ssyncset.done $0x0  }
0x1a: {  	s15 =	simm.s32 $0x9;
	s14 =	rddreg [dreg:$0x6];
	[sflag:s30] =	ssyncadd.s32 $0xFFFFC000  }
0x1b: {  	[hbm4b:s14+s3] =	stream.linear.scatter [tilespmem:s17], [sflag:$0x8], $0x4000, $0x38;
	[tilespmem:$0x1DC00] =	vst v63  }
0x1c: {  	_ =	swait.ge [sflag:s15], $0x4000  }
0x1d: {  	[sflag:s15] =	ssyncset.done $0x0  }
0x1e: {  	s19 =	simm.s32 $0xA;
	[sflag:s15] =	ssyncadd.s32 $0xFFFFC000  }
0x1f: {  	_ =	swait.ge [sflag:s19], $0x4000  }
0x20: {  	[sflag:s19] =	ssyncset.done $0x0  }
0x21: {  	[sflag:s19] =	ssyncadd.s32 $0xFFFFC000  }
0x22: {  	_ =	swait.ge [sflag:s20], $0x4000  }
0x23: {  	[sflag:s20] =	ssyncset.done $0x0  }
0x24: {  	[sflag:s20] =	ssyncadd.s32 $0xFFFFC000  }
0x25: {  	_ =	swait.ge [sflag:s21], $0x4000  }
0x26: {  	[sflag:s21] =	ssyncset.done $0x0  }
0x27: {  	[sflag:s21] =	ssyncadd.s32 $0xFFFFC000  }
0x28: {  	_ =	swait.ge [sflag:s23], $0x4000  }
0x29: {  	[sflag:s23] =	ssyncset.done $0x0  }
0x2a: {  	[sflag:s23] =	ssyncadd.s32 $0xFFFFC000  }
0x2b: {  	_ =	swait.ge [sflag:s24], $0x4000  }
0x2c: {  	[sflag:s24] =	ssyncset.done $0x0  }
0x2d: {  	[sflag:s24] =	ssyncadd.s32 $0xFFFFC000  }
0x2e: {  	_ =	swait.ge [sflag:s31], $0x4000  }
0x2f: {  	s25 =	sadd.s32 $0x1, s25;
	s28 =	rddreg [dreg:$0x7]  }
0x30: {  	p0 =	sne.s32 s25, s28  }
.Ltmp1:
0x31: {  	_ = 	snop;
	(pc) =	sbr.rel @!p0 .LBB2_5-.Ltmp1, $3  }
0x32: {  	_ =	sdelay $0x1  }
0x33: {  	[sflag:s31] =	ssyncset.done $0x0  }
0x34: {  	[sflag:s31] =	ssyncadd.s32 $0xFFFFC000  }
.LBB2_1:
0x35: {  	s4 =	rddreg [dreg:$0x4];
	s5 =	simm.s32 $0x400;
	s6 =	simm.s32 $0x8000  }
0x36: {  	[tilespmem:s3], [sflag:$0xF] =	stream.strided.gather [hbm4b:s4+s5], $0x1800, s6, s5, $0x38;
	[tilespmem:$0x1DC00] =	vst v63  }
0x37: {  	s14 =	rddreg [dreg:$0x5];
	s15 =	simm.s32 $0x1800;
	s19 =	simm.s32 $0xF  }
0x38: {  	[tilespmem:s15], [sflag:$0xF] =	stream.linear.gather [hbm4b:s14+s3], $0x100, $0x38;
	[tilespmem:$0x1DC00] =	vst v63  }
0x39: {  	_ =	swait.ge [sflag:s19], $0x1900  }
0x3a: {  	[sflag:s19] =	ssyncset.done $0x0  }
0x3b: {  	[sflag:s19] =	ssyncadd.s32 $0xFFFFE700  }
0x3c: {  	[tilespmem:s17], [sflag:$0x1] =	stream.indirect.gather [hbm4b:s1+s16], $0x80, s3, s16, $0xb8;
	[tilespmem:$0x1DC00] =	vst v63  }
0x3d: {  	_ = 	snop  }
0x3e: {  	[tilespmem:s18], [sflag:$0x2] =	stream.indirect.gather [hbm4b:s1+s16], $0x80, s16, s16, $0xb8;
	[tilespmem:$0x1DC00] =	vst v63  }
0x3f: {  	s5 =	simm.s32 $0x100;
	s6 =	simm.s32 $0x9C00  }
0x40: {  	[tilespmem:s6], [sflag:$0x3] =	stream.indirect.gather [hbm4b:s1+s16], $0x80, s5, s16, $0xb8;
	[tilespmem:$0x1DC00] =	vst v63  }
0x41: {  	s7 =	simm.s32 $0x180  }
0x42: {  	[tilespmem:s22], [sflag:$0x4] =	stream.indirect.gather [hbm4b:s1+s16], $0x80, s7, s16, $0xb8;
	[tilespmem:$0x1DC00] =	vst v63  }
0x43: {  	s10 =	simm.s32 $0x200;
	s14 =	simm.s32 $0x11C00  }
0x44: {  	[tilespmem:s14], [sflag:$0x5] =	stream.indirect.gather [hbm4b:s1+s16], $0x80, s10, s16, $0xb8;
	[tilespmem:$0x1DC00] =	vst v63  }
0x45: {  	s15 =	simm.s32 $0x280  }
0x46: {  	[tilespmem:s26], [sflag:$0x6] =	stream.indirect.gather [hbm4b:s1+s16], $0x80, s15, s16, $0xb8;
	[tilespmem:$0x1DC00] =	vst v63  }
0x47: {  	s28 =	simm.s32 $0x680;
	s19 =	simm.s32 $0x300;
	s5 =	simm.s32 $0x0  }
0x48: {  	[tilespmem:s29], [sflag:$0x7] =	stream.indirect.gather [hbm4b:s1+s16], $0x80, s19, s16, $0xb8;
	[tilespmem:$0x1DC00] =	vst v63  }
.LBB2_2:
0x49: {  	_ =	swait.ge [sflag:s30], $0x4000  }
0x4a: {  	[sflag:s30] =	ssyncset.done $0x0  }
0x4b: {  	s6 =	sadd.s32 s5, s11;
	[sflag:s30] =	ssyncadd.s32 $0xFFFFC000  }
0x4c: {  	[hbm4b:s6+s3] =	stream.linear.scatter [tilespmem:s17], [sflag:$0x8], $0x4000, $0x38;
	[tilespmem:$0x1DC00] =	vst v63  }
0x4d: {  	_ =	swait.ge [sflag:s31], $0x4000  }
0x4e: {  	[sflag:s31] =	ssyncset.done $0x0  }
0x4f: {  	s7 =	sadd.s32 $0xFFFFFD00, s28;
	[sflag:s31] =	ssyncadd.s32 $0xFFFFC000  }
0x50: {  	[tilespmem:s17], [sflag:$0x1] =	stream.indirect.gather [hbm4b:s1+s16], $0x80, s7, s16, $0xb8;
	[tilespmem:$0x1DC00] =	vst v63  }
0x51: {  	_ =	swait.ge [sflag:s0], $0x4000  }
0x52: {  	p0 =	seq.s32 s5, $0x2A0000;
	[sflag:s0] =	ssyncset.done $0x0  }
0x53: {  	s15 =	sadd.s32 $0x10000, s6;
	s7 =	simm.s32 @p0 $0x3;
	[sflag:s0] =	ssyncadd.s32 $0xFFFFC000  }
0x54: {  	[hbm4b:s15+s3] =	stream.linear.scatter [tilespmem:s18], [sflag:$0x9], $0x4000, $0x38;
	[tilespmem:$0x1DC00] =	vst v63  }
0x55: {  	_ =	swait.ge @p0 [sflag:s7], $0x4000  }
0x56: {  	[sflag:s7] =	ssyncset.done @p0 $0x0  }
0x57: {  	s4 =	simm.s32 @p0 $0x9C00;
	[sflag:s7] =	ssyncadd.s32 @p0 $0xFFFFC000;
	s7 =	simm.s32 @p0 $0x0  }
0x58: {  	[hbm4b:s8+s7] =	stream.linear.scatter @p0 [tilespmem:s4], [sflag:$0xA], $0x4000, $0x38;
	[tilespmem:$0x1DC00] =	vst v63  }
0x59: {  	s4 =	simm.s32 @!p0 $0x9  }
0x5a: {  	_ =	swait.ge @!p0 [sflag:s4], $0x4000  }
0x5b: {  	s10 =	simm.s32 @!p0 $0x80;
	[sflag:s4] =	ssyncset.done @!p0 $0x0  }
0x5c: {  	s15 =	simm.s32 @!p0 $0x5C00;
	[sflag:s4] =	ssyncadd.s32 @!p0 $0xFFFFC000;
	s4 =	sadd.s32 @!p0 $0xFFFFFD80, s28  }
0x5d: {  	[tilespmem:s15], [sflag:$0x2] =	stream.indirect.gather @!p0 [hbm4b:s1+s10], $0x80, s4, s10, $0xb8;
	[tilespmem:$0x1DC00] =	vst v63  }
0x5e: {  	s4 =	simm.s32 @!p0 $0x3  }
0x5f: {  	_ =	swait.ge @!p0 [sflag:s4], $0x4000  }
0x60: {  	[sflag:s4] =	ssyncset.done @!p0 $0x0  }
0x61: {  	[sflag:s4] =	ssyncadd.s32 @!p0 $0xFFFFC000;
	s4 =	sadd.s32 @!p0 s5, s11  }
0x62: {  	s14 =	simm.s32 @!p0 $0x0;
	s19 =	simm.s32 @!p0 $0x9C00;
	s15 =	sadd.s32 @!p0 $0x20000, s4  }
0x63: {  	[hbm4b:s15+s14] =	stream.linear.scatter @!p0 [tilespmem:s19], [sflag:$0xA], $0x4000, $0x38;
	[tilespmem:$0x1DC00] =	vst v63  }
0x64: {  	s15 =	simm.s32 @!p0 $0xA  }
0x65: {  	_ =	swait.ge @!p0 [sflag:s15], $0x4000  }
0x66: {  	[sflag:s15] =	ssyncset.done @!p0 $0x0  }
0x67: {  	[sflag:s15] =	ssyncadd.s32 @!p0 $0xFFFFC000;
	s15 =	sadd.s32 @!p0 $0xFFFFFE00, s28  }
0x68: {  	[tilespmem:s19], [sflag:$0x3] =	stream.indirect.gather @!p0 [hbm4b:s1+s10], $0x80, s15, s10, $0xb8;
	[tilespmem:$0x1DC00] =	vst v63  }
0x69: {  	_ =	swait.ge [sflag:s2], $0x4000  }
0x6a: {  	[sflag:s2] =	ssyncset.done $0x0  }
0x6b: {  	s19 =	sadd.s32 $0x30000, s6;
	s15 =	simm.s32 @p0 $0x5;
	[sflag:s2] =	ssyncadd.s32 $0xFFFFC000  }
0x6c: {  	[hbm4b:s19+s3] =	stream.linear.scatter [tilespmem:s22], [sflag:$0xB], $0x4000, $0x38;
	[tilespmem:$0x1DC00] =	vst v63  }
0x6d: {  	_ =	swait.ge @p0 [sflag:s15], $0x4000  }
0x6e: {  	[sflag:s15] =	ssyncset.done @p0 $0x0  }
0x6f: {  	[sflag:s15] =	ssyncadd.s32 @p0 $0xFFFFC000;
	s15 =	simm.s32 @p0 $0x11C00  }
0x70: {  	[hbm4b:s9+s7] =	stream.linear.scatter @p0 [tilespmem:s15], [sflag:$0xC], $0x4000, $0x38;
	[tilespmem:$0x1DC00] =	vst v63  }
0x71: {  	s7 =	simm.s32 @!p0 $0xB  }
0x72: {  	_ =	swait.ge @!p0 [sflag:s7], $0x4000  }
0x73: {  	[sflag:s7] =	ssyncset.done @!p0 $0x0  }
0x74: {  	s15 =	simm.s32 @!p0 $0xDC00;
	[sflag:s7] =	ssyncadd.s32 @!p0 $0xFFFFC000;
	s7 =	sadd.s32 @!p0 $0xFFFFFE80, s28  }
0x75: {  	[tilespmem:s15], [sflag:$0x4] =	stream.indirect.gather @!p0 [hbm4b:s1+s10], $0x80, s7, s10, $0xb8;
	[tilespmem:$0x1DC00] =	vst v63  }
0x76: {  	s7 =	simm.s32 @!p0 $0x5  }
0x77: {  	_ =	swait.ge @!p0 [sflag:s7], $0x4000  }
0x78: {  	[sflag:s7] =	ssyncset.done @!p0 $0x0  }
0x79: {  	s4 =	sadd.s32 @!p0 $0x40000, s4;
	[sflag:s7] =	ssyncadd.s32 @!p0 $0xFFFFC000;
	s7 =	simm.s32 @!p0 $0x11C00  }
0x7a: {  	[hbm4b:s4+s14] =	stream.linear.scatter @!p0 [tilespmem:s7], [sflag:$0xC], $0x4000, $0x38;
	[tilespmem:$0x1DC00] =	vst v63  }
0x7b: {  	s4 =	simm.s32 @!p0 $0xC  }
0x7c: {  	_ =	swait.ge @!p0 [sflag:s4], $0x4000  }
0x7d: {  	[sflag:s4] =	ssyncset.done @!p0 $0x0  }
0x7e: {  	[sflag:s4] =	ssyncadd.s32 @!p0 $0xFFFFC000;
	s4 =	sadd.s32 @!p0 $0xFFFFFF00, s28  }
0x7f: {  	[tilespmem:s7], [sflag:$0x5] =	stream.indirect.gather @!p0 [hbm4b:s1+s10], $0x80, s4, s10, $0xb8;
	[tilespmem:$0x1DC00] =	vst v63  }
.Ltmp2:
0x80: {  	_ = 	snop;
	(pc) =	sbr.rel @p0 .LBB2_4-.Ltmp2, $4  }
0x81: {  	_ =	swait.ge [sflag:s12], $0x4000  }
0x82: {  	[sflag:s12] =	ssyncset.done $0x0  }
0x83: {  	s19 =	sadd.s32 $0x50000, s6;
	[sflag:s12] =	ssyncadd.s32 $0xFFFFC000  }
0x84: {  	[hbm4b:s19+s3] =	stream.linear.scatter [tilespmem:s26], [sflag:$0xD], $0x4000, $0x38;
	[tilespmem:$0x1DC00] =	vst v63  }
0x85: {  	_ =	swait.ge [sflag:s23], $0x4000  }
0x86: {  	[sflag:s23] =	ssyncset.done $0x0  }
0x87: {  	s4 =	sadd.s32 $0xFFFFFF80, s28;
	[sflag:s23] =	ssyncadd.s32 $0xFFFFC000  }
0x88: {  	[tilespmem:s26], [sflag:$0x6] =	stream.indirect.gather [hbm4b:s1+s16], $0x80, s4, s16, $0xb8;
	[tilespmem:$0x1DC00] =	vst v63  }
0x89: {  	_ =	swait.ge [sflag:s13], $0x4000  }
0x8a: {  	[sflag:s13] =	ssyncset.done $0x0  }
0x8b: {  	s19 =	sadd.s32 $0x60000, s6;
	[sflag:s13] =	ssyncadd.s32 $0xFFFFC000  }
0x8c: {  	[hbm4b:s19+s3] =	stream.linear.scatter [tilespmem:s29], [sflag:$0xE], $0x4000, $0x38;
	[tilespmem:$0x1DC00] =	vst v63  }
.Ltmp3:
0x8d: {  	_ =	swait.ge [sflag:s24], $0x4000;
	(pc) =	sbr.rel .LBB2_2-.Ltmp3, $4  }
0x8e: {  	[sflag:s24] =	ssyncset.done $0x0  }
0x8f: {  	[sflag:s24] =	ssyncadd.s32 $0xFFFFC000  }
0x90: {  	[tilespmem:s29], [sflag:$0x7] =	stream.indirect.gather [hbm4b:s1+s16], $0x80, s28, s16, $0xb8;
	[tilespmem:$0x1DC00] =	vst v63  }
0x91: {  	s5 =	sadd.s32 $0x70000, s5;
	s28 =	sadd.s32 $0x380, s28  }
.LBB2_5:
0x92: {  	_ =	sfence.sel $0x180000  }
0x93: {  	[bflag:$0x0] =	sbarrier.arrive $0xFFFF  }
0x94: {  	_ =	strace $0x90000047  }
0x95: {  	s0 =	stileid.u32;
	[bflag:$0x2] =	sbarrier.arrive $0xFFFF  }
0x96: {  	p0 =	sne.s32 s0, $0x0;
	s0 =	rddreg [dreg:$0x3]  }
0x97: {  	s0 =	sadd.s32 @!p0 $0x100000, s0  }
0x98: {  	[sflag:s0] =	ssyncadd.tile.s32 @!p0 $0x1;
	_ =	shalt  }
.Lfunc_end2:
_tile_overlayer_lowered:
.L_overlay_start_2:
0x99: {  	(tag) =	ssettag $0x2  }
0x9a: {  	s0 =	rddreg [dreg:$0x0];
	s2 =	stileid.u32  }
0x9b: {  	s1 =	rddreg [dreg:$0x1];
	p0 =	sne.s32 s2, $0x0  }
0x9c: {  	s3 =	rddreg [dreg:$0x2];
	[bflag:$0x3] =	sbarrier.arrive $0xFFFF;
	s2 =	simm.s32 @!p0 $0x1C0F  }
0x9d: {  	[timem:s3], [sflag:s2] =	dma.local @!p0 [hbm:s0], s1  }
0x9e: {  	s0 =	simm.s32 @!p0 $0xF  }
0x9f: {  	_ =	swait.ge @!p0 [sflag:s0], s1  }
0xa0: {  	s1 =	ssub.s32 @!p0 $0x0, s1;
	[sflag:s0] =	ssyncset.done @!p0 $0x0  }
0xa1: {  	[sflag:s0] =	ssyncadd.s32 @!p0 s1  }
0xa2: {  	[bflag:$0x3] =	sbarrier.arrive $0xFFFF  }
0xa3: {  	_ =	shalt  }

</sc_bundles>
